<compile_context>
chip_gen: v7x
topology: tpu7x:2x2x1
jax: 0.10.2.dev20260603
libtpu: 0.0.44.dev20260713+nightly
codegen_flags: <defaults>
</compile_context>

<pallas_src>
import functools

import jax
import jax.numpy as jnp
from jax import lax
from jax.experimental import pallas as pl
from jax.experimental.pallas import tpu as pltpu
from jax.experimental.pallas import tpu_sc as plsc

_NC = 2
_NS = 16
_NW = _NC * _NS


@functools.lru_cache(maxsize=None)
def _make_gather(n, v, d, c):
    n_per_w = n // _NW
    n_chunks = n_per_w // c
    n_super = n_chunks // 2
    assert n_chunks % 2 == 0 and n_super >= 4 and n_super % 2 == 0
    mesh = plsc.VectorSubcoreMesh(core_axis_name="c", subcore_axis_name="s")

    @functools.partial(
        pl.kernel,
        mesh=mesh,
        out_type=jax.ShapeDtypeStruct((n, d), jnp.float32),
        scratch_types=[
            pltpu.VMEM((n_chunks, c), jnp.int32),
            pltpu.VMEM((4, c, d), jnp.float32),
            pltpu.SemaphoreType.DMA,
            pltpu.SemaphoreType.DMA,
            pltpu.SemaphoreType.DMA,
            pltpu.SemaphoreType.DMA,
        ],
    )
    def k(idx_hbm, table_hbm, out_hbm, idx_v, rows_v, ga, gb, wa, wb):
        wid = lax.axis_index("s") * _NC + lax.axis_index("c")
        base = wid * n_per_w
        gsems = (ga, gb)
        wsems = (wa, wb)
        pltpu.sync_copy(idx_hbm.at[wid], idx_v)

        def gath(j, buf, grp):
            return pltpu.make_async_copy(
                table_hbm.at[idx_v.at[j]], rows_v.at[buf], gsems[grp])

        def wr(j, buf, grp):
            return pltpu.make_async_copy(
                rows_v.at[buf], out_hbm.at[pl.ds(base + j * c, c)],
                wsems[grp])

        def fire_g(i, grp):
            gath(2 * i, 2 * grp, grp).start()
            gath(2 * i + 1, 2 * grp + 1, grp).start()

        def sstep(i, grp, first=False, last=False):
            oth = 1 - grp
            gath(2 * i, 2 * grp, grp).wait()
            gath(2 * i + 1, 2 * grp + 1, grp).wait()
            wr(2 * i, 2 * grp, grp).start()
            wr(2 * i + 1, 2 * grp + 1, grp).start()
            if not first:
                wr(2 * i - 2, 2 * oth, oth).wait()
                wr(2 * i - 1, 2 * oth + 1, oth).wait()
            if not last:
                fire_g(i + 1, oth)

        fire_g(0, 0)
        sstep(0, 0, first=True)

        def body(t, carry):
            i = 2 * t + 1
            sstep(i, 1)
            sstep(i + 1, 0)
            return carry

        lax.fori_loop(0, (n_super - 2) // 2, body, 0)
        i_last = n_super - 1
        sstep(i_last, 1, last=True)
        wr(2 * i_last, 2, 1).wait()
        wr(2 * i_last + 1, 3, 1).wait()

    return k


def kernel(x, pe):
    b, s = x.shape
    v, d = pe.shape
    n = b * s
    c = 16
    idx = x.reshape(_NW, (n // _NW) // c, c).astype(jnp.int32)
    out = _make_gather(n, v, d, c)(idx, pe)
    return out.reshape(b, s, d)

# --- scband reference (transcript-rebuilt; emitter-appended) ---
"""Pipeline reference for scband-positional-embedding-5729486373060 (READ-ONLY COPY).

The authoritative reference and input builder live on the scoring server;
editing this copy changes nothing except your own understanding.
"""

import jax, jax.numpy as jnp
import numpy as np
import math


def build_pe(d_model, max_len):
    position = jnp.arange(max_len, dtype=jnp.float32)[:, None]
    div_term = jnp.exp(jnp.arange(0, d_model, 2, dtype=jnp.float32) * (-math.log(10000.0) / d_model))
    pe = jnp.zeros((max_len, d_model), dtype=jnp.float32)
    pe = pe.at[:, 0::2].set(jnp.sin(position * div_term))
    pe = pe.at[:, 1::2].set(jnp.cos(position * div_term))
    return pe


def setup_inputs(seed: int = 0) -> dict:
    key = jax.random.key(seed)
    k_x, = jax.random.split(key, 1)
    max_len = 8192
    d_model = 1024
    batch = 4
    seq_len = 8192
    x = jax.random.randint(k_x, (batch, seq_len), 0, max_len, dtype=jnp.int64 if jax.config.jax_enable_x64 else jnp.int32)
    pe = build_pe(d_model=d_model, max_len=max_len)
    return {"x": x, "pe": pe}


def reference(x, pe):
    # PositionalEmbedding.forward: return self.pe[x]  (gather rows of PE table)
    return jnp.take(pe, x, axis=0)

if __name__ == "__main__":
    import jax
    _d = setup_inputs()
    print(jax.jit(kernel)(*tuple(_d.values())))

</pallas_src>

<mosaic_0001>
#map = affine_map<(d0, d1) -> (0, 0, 0)>
#map1 = affine_map<(d0, d1) -> (0, 0)>
module attributes {stable_mosaic.version = 14 : i64} {
  func.func @k(%arg0: i32, %arg1: i32, %arg2: memref<32x64x16xi32, #tpu.memory_space<hbm>>, %arg3: memref<8192x1024xf32, #tpu.memory_space<hbm>>, %arg4: memref<32768x1024xf32, #tpu.memory_space<hbm>>, %arg5: memref<64x16xi32, #tpu.memory_space<vmem>>, %arg6: memref<4x16x1024xf32, #tpu.memory_space<vmem>>, %arg7: memref<!tpu.dma_semaphore, #tpu.memory_space<semaphore_mem>>, %arg8: memref<!tpu.dma_semaphore, #tpu.memory_space<semaphore_mem>>, %arg9: memref<!tpu.dma_semaphore, #tpu.memory_space<semaphore_mem>>, %arg10: memref<!tpu.dma_semaphore, #tpu.memory_space<semaphore_mem>>) attributes {dimension_semantics = [#tpu.dimension_semantics<core_parallel>, #tpu.dimension_semantics<subcore_parallel>], iteration_bounds = array<i64: 2, 16>, scalar_prefetch = 0 : i64, scratch_operands = 6 : i64, tpu.core_type = #tpu.core_type<sc_vector_subcore>, window_params = [{transform_indices = #map}, {transform_indices = #map1}, {transform_indices = #map1}]} {
    %mul3A = arith.constant 2 : i32
    %mul3A_0 = arith.muli %arg1, %mul3A : i32
    %add3A = arith.addi %mul3A_0, %arg0 : i32
    %mul3A_1 = arith.constant 1024 : i32
    %mul3A_2 = arith.muli %add3A, %mul3A_1 : i32
    "tpu.region"() ({
      %run_scoped3A = tpu.sem_alloc : memref<!tpu.dma_semaphore, #tpu.memory_space<semaphore_mem>>
      %dma_start3A_222 = arith.constant 0 : i32
      %dma_start3A_223 = arith.constant 0 : i32
      %dma_start3A_224 = tpu.memref_slice %arg2[%add3A, %dma_start3A_222, %dma_start3A_223] : memref<32x64x16xi32, #tpu.memory_space<hbm>> -> memref<1x64x16xi32, #tpu.memory_space<hbm>>
      %dma_start3A_225 = tpu.memref_squeeze %dma_start3A_224 : memref<1x64x16xi32, #tpu.memory_space<hbm>> -> memref<64x16xi32, #tpu.memory_space<hbm>>
      %dma_start3A_226 = arith.constant 0 : i32
      %dma_start3A_227 = arith.constant 0 : i32
      %dma_start3A_228 = tpu.memref_slice %arg2[%add3A, %dma_start3A_226, %dma_start3A_227] : memref<32x64x16xi32, #tpu.memory_space<hbm>> -> memref<1x64x16xi32, #tpu.memory_space<hbm>>
      %dma_start3A_229 = tpu.memref_squeeze %dma_start3A_228 : memref<1x64x16xi32, #tpu.memory_space<hbm>> -> memref<64x16xi32, #tpu.memory_space<hbm>>
      tpu.enqueue_dma source(%dma_start3A_229 : memref<64x16xi32, #tpu.memory_space<hbm>>) target(%arg5 : memref<64x16xi32, #tpu.memory_space<vmem>>) target_semaphore(%run_scoped3A : memref<!tpu.dma_semaphore, #tpu.memory_space<semaphore_mem>>)
      %dma_wait3A_230 = arith.constant 0 : i32
      %dma_wait3A_231 = arith.constant 0 : i32
      %dma_wait3A_232 = tpu.memref_slice %arg2[%add3A, %dma_wait3A_230, %dma_wait3A_231] : memref<32x64x16xi32, #tpu.memory_space<hbm>> -> memref<1x64x16xi32, #tpu.memory_space<hbm>>
      %dma_wait3A_233 = tpu.memref_squeeze %dma_wait3A_232 : memref<1x64x16xi32, #tpu.memory_space<hbm>> -> memref<64x16xi32, #tpu.memory_space<hbm>>
      %dma_wait3A_234 = arith.constant 0 : i32
      %dma_wait3A_235 = arith.constant 0 : i32
      %dma_wait3A_236 = tpu.memref_slice %arg2[%add3A, %dma_wait3A_234, %dma_wait3A_235] : memref<32x64x16xi32, #tpu.memory_space<hbm>> -> memref<1x64x16xi32, #tpu.memory_space<hbm>>
      %dma_wait3A_237 = tpu.memref_squeeze %dma_wait3A_236 : memref<1x64x16xi32, #tpu.memory_space<hbm>> -> memref<64x16xi32, #tpu.memory_space<hbm>>
      tpu.wait_dma2 semaphore(%run_scoped3A : memref<!tpu.dma_semaphore, #tpu.memory_space<semaphore_mem>>) src(%dma_wait3A_237 : memref<64x16xi32, #tpu.memory_space<hbm>>) dst(%arg5 : memref<64x16xi32, #tpu.memory_space<vmem>>)
      tpu.yield
    }) : () -> ()
    %dma_start3A = arith.constant 0 : i32
    %dma_start3A_3 = arith.constant 0 : i32
    %dma_start3A_4 = arith.constant 0 : i32
    %dma_start3A_5 = arith.constant 0 : i32
    %dma_start3A_6 = tpu.memref_slice %arg6[%dma_start3A_3, %dma_start3A_4, %dma_start3A_5] : memref<4x16x1024xf32, #tpu.memory_space<vmem>> -> memref<1x16x1024xf32, #tpu.memory_space<vmem>>
    %dma_start3A_7 = tpu.memref_squeeze %dma_start3A_6 : memref<1x16x1024xf32, #tpu.memory_space<vmem>> -> memref<16x1024xf32, #tpu.memory_space<vmem>>
    %dma_start3A_8 = arith.constant 0 : i32
    %dma_start3A_9 = tpu.memref_slice %arg5[%dma_start3A, %dma_start3A_8] : memref<64x16xi32, #tpu.memory_space<vmem>> -> memref<1x16xi32, #tpu.memory_space<vmem>>
    %dma_start3A_10 = tpu.memref_squeeze %dma_start3A_9 : memref<1x16xi32, #tpu.memory_space<vmem>> -> memref<16xi32, #tpu.memory_space<vmem>>
    %dma_start3A_11 = arith.constant 0 : i32
    %dma_start3A_12 = arith.constant 0 : i32
    %dma_start3A_13 = tpu.memref_slice %arg3[%dma_start3A_11, %dma_start3A_12] : memref<8192x1024xf32, #tpu.memory_space<hbm>> -> memref<8192x1024xf32, #tpu.memory_space<hbm>>
    tpu.enqueue_indirect_dma source(%dma_start3A_13 : memref<8192x1024xf32, #tpu.memory_space<hbm>>) target(%dma_start3A_7 : memref<16x1024xf32, #tpu.memory_space<vmem>>) offsets(%dma_start3A_10 : memref<16xi32, #tpu.memory_space<vmem>>) semaphore(%arg7 : memref<!tpu.dma_semaphore, #tpu.memory_space<semaphore_mem>>)
    %dma_start3A_14 = arith.constant 1 : i32
    %dma_start3A_15 = arith.constant 1 : i32
    %dma_start3A_16 = arith.constant 0 : i32
    %dma_start3A_17 = arith.constant 0 : i32
    %dma_start3A_18 = tpu.memref_slice %arg6[%dma_start3A_15, %dma_start3A_16, %dma_start3A_17] : memref<4x16x1024xf32, #tpu.memory_space<vmem>> -> memref<1x16x1024xf32, #tpu.memory_space<vmem>>
    %dma_start3A_19 = tpu.memref_squeeze %dma_start3A_18 : memref<1x16x1024xf32, #tpu.memory_space<vmem>> -> memref<16x1024xf32, #tpu.memory_space<vmem>>
    %dma_start3A_20 = arith.constant 0 : i32
    %dma_start3A_21 = tpu.memref_slice %arg5[%dma_start3A_14, %dma_start3A_20] : memref<64x16xi32, #tpu.memory_space<vmem>> -> memref<1x16xi32, #tpu.memory_space<vmem>>
    %dma_start3A_22 = tpu.memref_squeeze %dma_start3A_21 : memref<1x16xi32, #tpu.memory_space<vmem>> -> memref<16xi32, #tpu.memory_space<vmem>>
    %dma_start3A_23 = arith.constant 0 : i32
    %dma_start3A_24 = arith.constant 0 : i32
    %dma_start3A_25 = tpu.memref_slice %arg3[%dma_start3A_23, %dma_start3A_24] : memref<8192x1024xf32, #tpu.memory_space<hbm>> -> memref<8192x1024xf32, #tpu.memory_space<hbm>>
    tpu.enqueue_indirect_dma source(%dma_start3A_25 : memref<8192x1024xf32, #tpu.memory_space<hbm>>) target(%dma_start3A_19 : memref<16x1024xf32, #tpu.memory_space<vmem>>) offsets(%dma_start3A_22 : memref<16xi32, #tpu.memory_space<vmem>>) semaphore(%arg7 : memref<!tpu.dma_semaphore, #tpu.memory_space<semaphore_mem>>)
    %dma_wait3A = arith.constant 0 : i32
    %dma_wait3A_26 = arith.constant 0 : i32
    %dma_wait3A_27 = arith.constant 0 : i32
    %dma_wait3A_28 = arith.constant 0 : i32
    %dma_wait3A_29 = tpu.memref_slice %arg6[%dma_wait3A_26, %dma_wait3A_27, %dma_wait3A_28] : memref<4x16x1024xf32, #tpu.memory_space<vmem>> -> memref<1x16x1024xf32, #tpu.memory_space<vmem>>
    %dma_wait3A_30 = tpu.memref_squeeze %dma_wait3A_29 : memref<1x16x1024xf32, #tpu.memory_space<vmem>> -> memref<16x1024xf32, #tpu.memory_space<vmem>>
    %dma_wait3A_31 = arith.constant 0 : i32
    %dma_wait3A_32 = tpu.memref_slice %arg5[%dma_wait3A, %dma_wait3A_31] : memref<64x16xi32, #tpu.memory_space<vmem>> -> memref<1x16xi32, #tpu.memory_space<vmem>>
    %dma_wait3A_33 = tpu.memref_squeeze %dma_wait3A_32 : memref<1x16xi32, #tpu.memory_space<vmem>> -> memref<16xi32, #tpu.memory_space<vmem>>
    %dma_wait3A_34 = arith.constant 0 : i32
    %dma_wait3A_35 = arith.constant 0 : i32
    %dma_wait3A_36 = tpu.memref_slice %arg3[%dma_wait3A_34, %dma_wait3A_35] : memref<8192x1024xf32, #tpu.memory_space<hbm>> -> memref<8192x1024xf32, #tpu.memory_space<hbm>>
    tpu.wait_indirect_dma semaphore(%arg7 : memref<!tpu.dma_semaphore, #tpu.memory_space<semaphore_mem>>) src(%dma_wait3A_36 : memref<8192x1024xf32, #tpu.memory_space<hbm>>) dst(%dma_wait3A_30 : memref<16x1024xf32, #tpu.memory_space<vmem>>)
    %dma_wait3A_37 = arith.constant 1 : i32
    %dma_wait3A_38 = arith.constant 1 : i32
    %dma_wait3A_39 = arith.constant 0 : i32
    %dma_wait3A_40 = arith.constant 0 : i32
    %dma_wait3A_41 = tpu.memref_slice %arg6[%dma_wait3A_38, %dma_wait3A_39, %dma_wait3A_40] : memref<4x16x1024xf32, #tpu.memory_space<vmem>> -> memref<1x16x1024xf32, #tpu.memory_space<vmem>>
    %dma_wait3A_42 = tpu.memref_squeeze %dma_wait3A_41 : memref<1x16x1024xf32, #tpu.memory_space<vmem>> -> memref<16x1024xf32, #tpu.memory_space<vmem>>
    %dma_wait3A_43 = arith.constant 0 : i32
    %dma_wait3A_44 = tpu.memref_slice %arg5[%dma_wait3A_37, %dma_wait3A_43] : memref<64x16xi32, #tpu.memory_space<vmem>> -> memref<1x16xi32, #tpu.memory_space<vmem>>
    %dma_wait3A_45 = tpu.memref_squeeze %dma_wait3A_44 : memref<1x16xi32, #tpu.memory_space<vmem>> -> memref<16xi32, #tpu.memory_space<vmem>>
    %dma_wait3A_46 = arith.constant 0 : i32
    %dma_wait3A_47 = arith.constant 0 : i32
    %dma_wait3A_48 = tpu.memref_slice %arg3[%dma_wait3A_46, %dma_wait3A_47] : memref<8192x1024xf32, #tpu.memory_space<hbm>> -> memref<8192x1024xf32, #tpu.memory_space<hbm>>
    tpu.wait_indirect_dma semaphore(%arg7 : memref<!tpu.dma_semaphore, #tpu.memory_space<semaphore_mem>>) src(%dma_wait3A_48 : memref<8192x1024xf32, #tpu.memory_space<hbm>>) dst(%dma_wait3A_42 : memref<16x1024xf32, #tpu.memory_space<vmem>>)
    %add3A_49 = arith.constant 0 : i32
    %add3A_50 = arith.addi %mul3A_2, %add3A_49 : i32
    %dma_start3A_51 = arith.constant 0 : i32
    %dma_start3A_52 = arith.constant 0 : i32
    %dma_start3A_53 = arith.constant 0 : i32
    %dma_start3A_54 = tpu.memref_slice %arg6[%dma_start3A_51, %dma_start3A_52, %dma_start3A_53] : memref<4x16x1024xf32, #tpu.memory_space<vmem>> -> memref<1x16x1024xf32, #tpu.memory_space<vmem>>
    %dma_start3A_55 = tpu.memref_squeeze %dma_start3A_54 : memref<1x16x1024xf32, #tpu.memory_space<vmem>> -> memref<16x1024xf32, #tpu.memory_space<vmem>>
    %dma_start3A_56 = arith.constant 0 : i32
    %dma_start3A_57 = tpu.memref_slice %arg4[%add3A_50, %dma_start3A_56] : memref<32768x1024xf32, #tpu.memory_space<hbm>> -> memref<16x1024xf32, #tpu.memory_space<hbm>>
    %dma_start3A_58 = arith.constant 0 : i32
    %dma_start3A_59 = tpu.memref_slice %arg4[%add3A_50, %dma_start3A_58] : memref<32768x1024xf32, #tpu.memory_space<hbm>> -> memref<16x1024xf32, #tpu.memory_space<hbm>>
    %dma_start3A_60 = arith.constant 0 : i32
    %dma_start3A_61 = arith.constant 0 : i32
    %dma_start3A_62 = tpu.memref_slice %arg6[%dma_start3A_51, %dma_start3A_60, %dma_start3A_61] : memref<4x16x1024xf32, #tpu.memory_space<vmem>> -> memref<1x16x1024xf32, #tpu.memory_space<vmem>>
    %dma_start3A_63 = tpu.memref_squeeze %dma_start3A_62 : memref<1x16x1024xf32, #tpu.memory_space<vmem>> -> memref<16x1024xf32, #tpu.memory_space<vmem>>
    tpu.enqueue_dma source(%dma_start3A_63 : memref<16x1024xf32, #tpu.memory_space<vmem>>) target(%dma_start3A_59 : memref<16x1024xf32, #tpu.memory_space<hbm>>) target_semaphore(%arg9 : memref<!tpu.dma_semaphore, #tpu.memory_space<semaphore_mem>>)
    %add3A_64 = arith.constant 16 : i32
    %add3A_65 = arith.addi %mul3A_2, %add3A_64 : i32
    %dma_start3A_66 = arith.constant 1 : i32
    %dma_start3A_67 = arith.constant 0 : i32
    %dma_start3A_68 = arith.constant 0 : i32
    %dma_start3A_69 = tpu.memref_slice %arg6[%dma_start3A_66, %dma_start3A_67, %dma_start3A_68] : memref<4x16x1024xf32, #tpu.memory_space<vmem>> -> memref<1x16x1024xf32, #tpu.memory_space<vmem>>
    %dma_start3A_70 = tpu.memref_squeeze %dma_start3A_69 : memref<1x16x1024xf32, #tpu.memory_space<vmem>> -> memref<16x1024xf32, #tpu.memory_space<vmem>>
    %dma_start3A_71 = arith.constant 0 : i32
    %dma_start3A_72 = tpu.memref_slice %arg4[%add3A_65, %dma_start3A_71] : memref<32768x1024xf32, #tpu.memory_space<hbm>> -> memref<16x1024xf32, #tpu.memory_space<hbm>>
    %dma_start3A_73 = arith.constant 0 : i32
    %dma_start3A_74 = tpu.memref_slice %arg4[%add3A_65, %dma_start3A_73] : memref<32768x1024xf32, #tpu.memory_space<hbm>> -> memref<16x1024xf32, #tpu.memory_space<hbm>>
    %dma_start3A_75 = arith.constant 0 : i32
    %dma_start3A_76 = arith.constant 0 : i32
    %dma_start3A_77 = tpu.memref_slice %arg6[%dma_start3A_66, %dma_start3A_75, %dma_start3A_76] : memref<4x16x1024xf32, #tpu.memory_space<vmem>> -> memref<1x16x1024xf32, #tpu.memory_space<vmem>>
    %dma_start3A_78 = tpu.memref_squeeze %dma_start3A_77 : memref<1x16x1024xf32, #tpu.memory_space<vmem>> -> memref<16x1024xf32, #tpu.memory_space<vmem>>
    tpu.enqueue_dma source(%dma_start3A_78 : memref<16x1024xf32, #tpu.memory_space<vmem>>) target(%dma_start3A_74 : memref<16x1024xf32, #tpu.memory_space<hbm>>) target_semaphore(%arg9 : memref<!tpu.dma_semaphore, #tpu.memory_space<semaphore_mem>>)
    %dma_start3A_79 = arith.constant 2 : i32
    %dma_start3A_80 = arith.constant 2 : i32
    %dma_start3A_81 = arith.constant 0 : i32
    %dma_start3A_82 = arith.constant 0 : i32
    %dma_start3A_83 = tpu.memref_slice %arg6[%dma_start3A_80, %dma_start3A_81, %dma_start3A_82] : memref<4x16x1024xf32, #tpu.memory_space<vmem>> -> memref<1x16x1024xf32, #tpu.memory_space<vmem>>
    %dma_start3A_84 = tpu.memref_squeeze %dma_start3A_83 : memref<1x16x1024xf32, #tpu.memory_space<vmem>> -> memref<16x1024xf32, #tpu.memory_space<vmem>>
    %dma_start3A_85 = arith.constant 0 : i32
    %dma_start3A_86 = tpu.memref_slice %arg5[%dma_start3A_79, %dma_start3A_85] : memref<64x16xi32, #tpu.memory_space<vmem>> -> memref<1x16xi32, #tpu.memory_space<vmem>>
    %dma_start3A_87 = tpu.memref_squeeze %dma_start3A_86 : memref<1x16xi32, #tpu.memory_space<vmem>> -> memref<16xi32, #tpu.memory_space<vmem>>
    %dma_start3A_88 = arith.constant 0 : i32
    %dma_start3A_89 = arith.constant 0 : i32
    %dma_start3A_90 = tpu.memref_slice %arg3[%dma_start3A_88, %dma_start3A_89] : memref<8192x1024xf32, #tpu.memory_space<hbm>> -> memref<8192x1024xf32, #tpu.memory_space<hbm>>
    tpu.enqueue_indirect_dma source(%dma_start3A_90 : memref<8192x1024xf32, #tpu.memory_space<hbm>>) target(%dma_start3A_84 : memref<16x1024xf32, #tpu.memory_space<vmem>>) offsets(%dma_start3A_87 : memref<16xi32, #tpu.memory_space<vmem>>) semaphore(%arg8 : memref<!tpu.dma_semaphore, #tpu.memory_space<semaphore_mem>>)
    %dma_start3A_91 = arith.constant 3 : i32
    %dma_start3A_92 = arith.constant 3 : i32
    %dma_start3A_93 = arith.constant 0 : i32
    %dma_start3A_94 = arith.constant 0 : i32
    %dma_start3A_95 = tpu.memref_slice %arg6[%dma_start3A_92, %dma_start3A_93, %dma_start3A_94] : memref<4x16x1024xf32, #tpu.memory_space<vmem>> -> memref<1x16x1024xf32, #tpu.memory_space<vmem>>
    %dma_start3A_96 = tpu.memref_squeeze %dma_start3A_95 : memref<1x16x1024xf32, #tpu.memory_space<vmem>> -> memref<16x1024xf32, #tpu.memory_space<vmem>>
    %dma_start3A_97 = arith.constant 0 : i32
    %dma_start3A_98 = tpu.memref_slice %arg5[%dma_start3A_91, %dma_start3A_97] : memref<64x16xi32, #tpu.memory_space<vmem>> -> memref<1x16xi32, #tpu.memory_space<vmem>>
    %dma_start3A_99 = tpu.memref_squeeze %dma_start3A_98 : memref<1x16xi32, #tpu.memory_space<vmem>> -> memref<16xi32, #tpu.memory_space<vmem>>
    %dma_start3A_100 = arith.constant 0 : i32
    %dma_start3A_101 = arith.constant 0 : i32
    %dma_start3A_102 = tpu.memref_slice %arg3[%dma_start3A_100, %dma_start3A_101] : memref<8192x1024xf32, #tpu.memory_space<hbm>> -> memref<8192x1024xf32, #tpu.memory_space<hbm>>
    tpu.enqueue_indirect_dma source(%dma_start3A_102 : memref<8192x1024xf32, #tpu.memory_space<hbm>>) target(%dma_start3A_96 : memref<16x1024xf32, #tpu.memory_space<vmem>>) offsets(%dma_start3A_99 : memref<16xi32, #tpu.memory_space<vmem>>) semaphore(%arg8 : memref<!tpu.dma_semaphore, #tpu.memory_space<semaphore_mem>>)
    %scan3A = arith.constant 0 : i32
    %scan3A_103 = arith.constant 0 : i32
    %scan3A_104 = arith.constant 15 : i32
    %scan3A_105 = arith.addi %scan3A_103, %scan3A_104 : i32
    %scan3A_106 = arith.constant 1 : i32
    scf.for %scan3A_222 = %scan3A_103 to %scan3A_105 step %scan3A_106  : i32 {
      %mul3A_223 = arith.constant 2 : i32
      %mul3A_224 = arith.muli %mul3A_223, %scan3A_222 : i32
      %add3A_225 = arith.constant 1 : i32
      %add3A_226 = arith.addi %mul3A_224, %add3A_225 : i32
      %mul3A_227 = arith.constant 2 : i32
      %mul3A_228 = arith.muli %mul3A_227, %add3A_226 : i32
      %dma_wait3A_229 = arith.constant 2 : i32
      %dma_wait3A_230 = arith.constant 0 : i32
      %dma_wait3A_231 = arith.constant 0 : i32
      %dma_wait3A_232 = tpu.memref_slice %arg6[%dma_wait3A_229, %dma_wait3A_230, %dma_wait3A_231] : memref<4x16x1024xf32, #tpu.memory_space<vmem>> -> memref<1x16x1024xf32, #tpu.memory_space<vmem>>
      %dma_wait3A_233 = tpu.memref_squeeze %dma_wait3A_232 : memref<1x16x1024xf32, #tpu.memory_space<vmem>> -> memref<16x1024xf32, #tpu.memory_space<vmem>>
      %dma_wait3A_234 = arith.constant 0 : i32
      %dma_wait3A_235 = tpu.memref_slice %arg5[%mul3A_228, %dma_wait3A_234] : memref<64x16xi32, #tpu.memory_space<vmem>> -> memref<1x16xi32, #tpu.memory_space<vmem>>
      %dma_wait3A_236 = tpu.memref_squeeze %dma_wait3A_235 : memref<1x16xi32, #tpu.memory_space<vmem>> -> memref<16xi32, #tpu.memory_space<vmem>>
      %dma_wait3A_237 = arith.constant 0 : i32
      %dma_wait3A_238 = arith.constant 0 : i32
      %dma_wait3A_239 = tpu.memref_slice %arg3[%dma_wait3A_237, %dma_wait3A_238] : memref<8192x1024xf32, #tpu.memory_space<hbm>> -> memref<8192x1024xf32, #tpu.memory_space<hbm>>
      tpu.wait_indirect_dma semaphore(%arg8 : memref<!tpu.dma_semaphore, #tpu.memory_space<semaphore_mem>>) src(%dma_wait3A_239 : memref<8192x1024xf32, #tpu.memory_space<hbm>>) dst(%dma_wait3A_233 : memref<16x1024xf32, #tpu.memory_space<vmem>>)
      %mul3A_240 = arith.constant 2 : i32
      %mul3A_241 = arith.muli %mul3A_240, %add3A_226 : i32
      %add3A_242 = arith.constant 1 : i32
      %add3A_243 = arith.addi %mul3A_241, %add3A_242 : i32
      %dma_wait3A_244 = arith.constant 3 : i32
      %dma_wait3A_245 = arith.constant 0 : i32
      %dma_wait3A_246 = arith.constant 0 : i32
      %dma_wait3A_247 = tpu.memref_slice %arg6[%dma_wait3A_244, %dma_wait3A_245, %dma_wait3A_246] : memref<4x16x1024xf32, #tpu.memory_space<vmem>> -> memref<1x16x1024xf32, #tpu.memory_space<vmem>>
      %dma_wait3A_248 = tpu.memref_squeeze %dma_wait3A_247 : memref<1x16x1024xf32, #tpu.memory_space<vmem>> -> memref<16x1024xf32, #tpu.memory_space<vmem>>
      %dma_wait3A_249 = arith.constant 0 : i32
      %dma_wait3A_250 = tpu.memref_slice %arg5[%add3A_243, %dma_wait3A_249] : memref<64x16xi32, #tpu.memory_space<vmem>> -> memref<1x16xi32, #tpu.memory_space<vmem>>
      %dma_wait3A_251 = tpu.memref_squeeze %dma_wait3A_250 : memref<1x16xi32, #tpu.memory_space<vmem>> -> memref<16xi32, #tpu.memory_space<vmem>>
      %dma_wait3A_252 = arith.constant 0 : i32
      %dma_wait3A_253 = arith.constant 0 : i32
      %dma_wait3A_254 = tpu.memref_slice %arg3[%dma_wait3A_252, %dma_wait3A_253] : memref<8192x1024xf32, #tpu.memory_space<hbm>> -> memref<8192x1024xf32, #tpu.memory_space<hbm>>
      tpu.wait_indirect_dma semaphore(%arg8 : memref<!tpu.dma_semaphore, #tpu.memory_space<semaphore_mem>>) src(%dma_wait3A_254 : memref<8192x1024xf32, #tpu.memory_space<hbm>>) dst(%dma_wait3A_248 : memref<16x1024xf32, #tpu.memory_space<vmem>>)
      %mul3A_255 = arith.constant 2 : i32
      %mul3A_256 = arith.muli %mul3A_255, %add3A_226 : i32
      %mul3A_257 = arith.constant 16 : i32
      %mul3A_258 = arith.muli %mul3A_256, %mul3A_257 : i32
      %add3A_259 = arith.addi %mul3A_2, %mul3A_258 : i32
      %dma_start3A_260 = arith.constant 2 : i32
      %dma_start3A_261 = arith.constant 0 : i32
      %dma_start3A_262 = arith.constant 0 : i32
      %dma_start3A_263 = tpu.memref_slice %arg6[%dma_start3A_260, %dma_start3A_261, %dma_start3A_262] : memref<4x16x1024xf32, #tpu.memory_space<vmem>> -> memref<1x16x1024xf32, #tpu.memory_space<vmem>>
      %dma_start3A_264 = tpu.memref_squeeze %dma_start3A_263 : memref<1x16x1024xf32, #tpu.memory_space<vmem>> -> memref<16x1024xf32, #tpu.memory_space<vmem>>
      %dma_start3A_265 = arith.constant 0 : i32
      %dma_start3A_266 = tpu.memref_slice %arg4[%add3A_259, %dma_start3A_265] : memref<32768x1024xf32, #tpu.memory_space<hbm>> -> memref<16x1024xf32, #tpu.memory_space<hbm>>
      %dma_start3A_267 = arith.constant 0 : i32
      %dma_start3A_268 = tpu.memref_slice %arg4[%add3A_259, %dma_start3A_267] : memref<32768x1024xf32, #tpu.memory_space<hbm>> -> memref<16x1024xf32, #tpu.memory_space<hbm>>
      %dma_start3A_269 = arith.constant 0 : i32
      %dma_start3A_270 = arith.constant 0 : i32
      %dma_start3A_271 = tpu.memref_slice %arg6[%dma_start3A_260, %dma_start3A_269, %dma_start3A_270] : memref<4x16x1024xf32, #tpu.memory_space<vmem>> -> memref<1x16x1024xf32, #tpu.memory_space<vmem>>
      %dma_start3A_272 = tpu.memref_squeeze %dma_start3A_271 : memref<1x16x1024xf32, #tpu.memory_space<vmem>> -> memref<16x1024xf32, #tpu.memory_space<vmem>>
      tpu.enqueue_dma source(%dma_start3A_272 : memref<16x1024xf32, #tpu.memory_space<vmem>>) target(%dma_start3A_268 : memref<16x1024xf32, #tpu.memory_space<hbm>>) target_semaphore(%arg10 : memref<!tpu.dma_semaphore, #tpu.memory_space<semaphore_mem>>)
      %mul3A_273 = arith.constant 2 : i32
      %mul3A_274 = arith.muli %mul3A_273, %add3A_226 : i32
      %add3A_275 = arith.constant 1 : i32
      %add3A_276 = arith.addi %mul3A_274, %add3A_275 : i32
      %mul3A_277 = arith.constant 16 : i32
      %mul3A_278 = arith.muli %add3A_276, %mul3A_277 : i32
      %add3A_279 = arith.addi %mul3A_2, %mul3A_278 : i32
      %dma_start3A_280 = arith.constant 3 : i32
      %dma_start3A_281 = arith.constant 0 : i32
      %dma_start3A_282 = arith.constant 0 : i32
      %dma_start3A_283 = tpu.memref_slice %arg6[%dma_start3A_280, %dma_start3A_281, %dma_start3A_282] : memref<4x16x1024xf32, #tpu.memory_space<vmem>> -> memref<1x16x1024xf32, #tpu.memory_space<vmem>>
      %dma_start3A_284 = tpu.memref_squeeze %dma_start3A_283 : memref<1x16x1024xf32, #tpu.memory_space<vmem>> -> memref<16x1024xf32, #tpu.memory_space<vmem>>
      %dma_start3A_285 = arith.constant 0 : i32
      %dma_start3A_286 = tpu.memref_slice %arg4[%add3A_279, %dma_start3A_285] : memref<32768x1024xf32, #tpu.memory_space<hbm>> -> memref<16x1024xf32, #tpu.memory_space<hbm>>
      %dma_start3A_287 = arith.constant 0 : i32
      %dma_start3A_288 = tpu.memref_slice %arg4[%add3A_279, %dma_start3A_287] : memref<32768x1024xf32, #tpu.memory_space<hbm>> -> memref<16x1024xf32, #tpu.memory_space<hbm>>
      %dma_start3A_289 = arith.constant 0 : i32
      %dma_start3A_290 = arith.constant 0 : i32
      %dma_start3A_291 = tpu.memref_slice %arg6[%dma_start3A_280, %dma_start3A_289, %dma_start3A_290] : memref<4x16x1024xf32, #tpu.memory_space<vmem>> -> memref<1x16x1024xf32, #tpu.memory_space<vmem>>
      %dma_start3A_292 = tpu.memref_squeeze %dma_start3A_291 : memref<1x16x1024xf32, #tpu.memory_space<vmem>> -> memref<16x1024xf32, #tpu.memory_space<vmem>>
      tpu.enqueue_dma source(%dma_start3A_292 : memref<16x1024xf32, #tpu.memory_space<vmem>>) target(%dma_start3A_288 : memref<16x1024xf32, #tpu.memory_space<hbm>>) target_semaphore(%arg10 : memref<!tpu.dma_semaphore, #tpu.memory_space<semaphore_mem>>)
      %mul3A_293 = arith.constant 2 : i32
      %mul3A_294 = arith.muli %mul3A_293, %add3A_226 : i32
      %sub3A = arith.constant 2 : i32
      %sub3A_295 = arith.subi %mul3A_294, %sub3A : i32
      %mul3A_296 = arith.constant 16 : i32
      %mul3A_297 = arith.muli %sub3A_295, %mul3A_296 : i32
      %add3A_298 = arith.addi %mul3A_2, %mul3A_297 : i32
      %dma_wait3A_299 = arith.constant 0 : i32
      %dma_wait3A_300 = arith.constant 0 : i32
      %dma_wait3A_301 = arith.constant 0 : i32
      %dma_wait3A_302 = tpu.memref_slice %arg6[%dma_wait3A_299, %dma_wait3A_300, %dma_wait3A_301] : memref<4x16x1024xf32, #tpu.memory_space<vmem>> -> memref<1x16x1024xf32, #tpu.memory_space<vmem>>
      %dma_wait3A_303 = tpu.memref_squeeze %dma_wait3A_302 : memref<1x16x1024xf32, #tpu.memory_space<vmem>> -> memref<16x1024xf32, #tpu.memory_space<vmem>>
      %dma_wait3A_304 = arith.constant 0 : i32
      %dma_wait3A_305 = tpu.memref_slice %arg4[%add3A_298, %dma_wait3A_304] : memref<32768x1024xf32, #tpu.memory_space<hbm>> -> memref<16x1024xf32, #tpu.memory_space<hbm>>
      %dma_wait3A_306 = arith.constant 0 : i32
      %dma_wait3A_307 = tpu.memref_slice %arg4[%add3A_298, %dma_wait3A_306] : memref<32768x1024xf32, #tpu.memory_space<hbm>> -> memref<16x1024xf32, #tpu.memory_space<hbm>>
      %dma_wait3A_308 = arith.constant 0 : i32
      %dma_wait3A_309 = arith.constant 0 : i32
      %dma_wait3A_310 = tpu.memref_slice %arg6[%dma_wait3A_299, %dma_wait3A_308, %dma_wait3A_309] : memref<4x16x1024xf32, #tpu.memory_space<vmem>> -> memref<1x16x1024xf32, #tpu.memory_space<vmem>>
      %dma_wait3A_311 = tpu.memref_squeeze %dma_wait3A_310 : memref<1x16x1024xf32, #tpu.memory_space<vmem>> -> memref<16x1024xf32, #tpu.memory_space<vmem>>
      tpu.wait_dma2 semaphore(%arg9 : memref<!tpu.dma_semaphore, #tpu.memory_space<semaphore_mem>>) src(%dma_wait3A_311 : memref<16x1024xf32, #tpu.memory_space<vmem>>) dst(%dma_wait3A_307 : memref<16x1024xf32, #tpu.memory_space<hbm>>)
      %mul3A_312 = arith.constant 2 : i32
      %mul3A_313 = arith.muli %mul3A_312, %add3A_226 : i32
      %sub3A_314 = arith.constant 1 : i32
      %sub3A_315 = arith.subi %mul3A_313, %sub3A_314 : i32
      %mul3A_316 = arith.constant 16 : i32
      %mul3A_317 = arith.muli %sub3A_315, %mul3A_316 : i32
      %add3A_318 = arith.addi %mul3A_2, %mul3A_317 : i32
      %dma_wait3A_319 = arith.constant 1 : i32
      %dma_wait3A_320 = arith.constant 0 : i32
      %dma_wait3A_321 = arith.constant 0 : i32
      %dma_wait3A_322 = tpu.memref_slice %arg6[%dma_wait3A_319, %dma_wait3A_320, %dma_wait3A_321] : memref<4x16x1024xf32, #tpu.memory_space<vmem>> -> memref<1x16x1024xf32, #tpu.memory_space<vmem>>
      %dma_wait3A_323 = tpu.memref_squeeze %dma_wait3A_322 : memref<1x16x1024xf32, #tpu.memory_space<vmem>> -> memref<16x1024xf32, #tpu.memory_space<vmem>>
      %dma_wait3A_324 = arith.constant 0 : i32
      %dma_wait3A_325 = tpu.memref_slice %arg4[%add3A_318, %dma_wait3A_324] : memref<32768x1024xf32, #tpu.memory_space<hbm>> -> memref<16x1024xf32, #tpu.memory_space<hbm>>
      %dma_wait3A_326 = arith.constant 0 : i32
      %dma_wait3A_327 = tpu.memref_slice %arg4[%add3A_318, %dma_wait3A_326] : memref<32768x1024xf32, #tpu.memory_space<hbm>> -> memref<16x1024xf32, #tpu.memory_space<hbm>>
      %dma_wait3A_328 = arith.constant 0 : i32
      %dma_wait3A_329 = arith.constant 0 : i32
      %dma_wait3A_330 = tpu.memref_slice %arg6[%dma_wait3A_319, %dma_wait3A_328, %dma_wait3A_329] : memref<4x16x1024xf32, #tpu.memory_space<vmem>> -> memref<1x16x1024xf32, #tpu.memory_space<vmem>>
      %dma_wait3A_331 = tpu.memref_squeeze %dma_wait3A_330 : memref<1x16x1024xf32, #tpu.memory_space<vmem>> -> memref<16x1024xf32, #tpu.memory_space<vmem>>
      tpu.wait_dma2 semaphore(%arg9 : memref<!tpu.dma_semaphore, #tpu.memory_space<semaphore_mem>>) src(%dma_wait3A_331 : memref<16x1024xf32, #tpu.memory_space<vmem>>) dst(%dma_wait3A_327 : memref<16x1024xf32, #tpu.memory_space<hbm>>)
      %add3A_332 = arith.constant 1 : i32
      %add3A_333 = arith.addi %add3A_226, %add3A_332 : i32
      %mul3A_334 = arith.constant 2 : i32
      %mul3A_335 = arith.muli %mul3A_334, %add3A_333 : i32
      %dma_start3A_336 = arith.constant 0 : i32
      %dma_start3A_337 = arith.constant 0 : i32
      %dma_start3A_338 = arith.constant 0 : i32
      %dma_start3A_339 = tpu.memref_slice %arg6[%dma_start3A_336, %dma_start3A_337, %dma_start3A_338] : memref<4x16x1024xf32, #tpu.memory_space<vmem>> -> memref<1x16x1024xf32, #tpu.memory_space<vmem>>
      %dma_start3A_340 = tpu.memref_squeeze %dma_start3A_339 : memref<1x16x1024xf32, #tpu.memory_space<vmem>> -> memref<16x1024xf32, #tpu.memory_space<vmem>>
      %dma_start3A_341 = arith.constant 0 : i32
      %dma_start3A_342 = tpu.memref_slice %arg5[%mul3A_335, %dma_start3A_341] : memref<64x16xi32, #tpu.memory_space<vmem>> -> memref<1x16xi32, #tpu.memory_space<vmem>>
      %dma_start3A_343 = tpu.memref_squeeze %dma_start3A_342 : memref<1x16xi32, #tpu.memory_space<vmem>> -> memref<16xi32, #tpu.memory_space<vmem>>
      %dma_start3A_344 = arith.constant 0 : i32
      %dma_start3A_345 = arith.constant 0 : i32
      %dma_start3A_346 = tpu.memref_slice %arg3[%dma_start3A_344, %dma_start3A_345] : memref<8192x1024xf32, #tpu.memory_space<hbm>> -> memref<8192x1024xf32, #tpu.memory_space<hbm>>
      tpu.enqueue_indirect_dma source(%dma_start3A_346 : memref<8192x1024xf32, #tpu.memory_space<hbm>>) target(%dma_start3A_340 : memref<16x1024xf32, #tpu.memory_space<vmem>>) offsets(%dma_start3A_343 : memref<16xi32, #tpu.memory_space<vmem>>) semaphore(%arg7 : memref<!tpu.dma_semaphore, #tpu.memory_space<semaphore_mem>>)
      %mul3A_347 = arith.constant 2 : i32
      %mul3A_348 = arith.muli %mul3A_347, %add3A_333 : i32
      %add3A_349 = arith.constant 1 : i32
      %add3A_350 = arith.addi %mul3A_348, %add3A_349 : i32
      %dma_start3A_351 = arith.constant 1 : i32
      %dma_start3A_352 = arith.constant 0 : i32
      %dma_start3A_353 = arith.constant 0 : i32
      %dma_start3A_354 = tpu.memref_slice %arg6[%dma_start3A_351, %dma_start3A_352, %dma_start3A_353] : memref<4x16x1024xf32, #tpu.memory_space<vmem>> -> memref<1x16x1024xf32, #tpu.memory_space<vmem>>
      %dma_start3A_355 = tpu.memref_squeeze %dma_start3A_354 : memref<1x16x1024xf32, #tpu.memory_space<vmem>> -> memref<16x1024xf32, #tpu.memory_space<vmem>>
      %dma_start3A_356 = arith.constant 0 : i32
      %dma_start3A_357 = tpu.memref_slice %arg5[%add3A_350, %dma_start3A_356] : memref<64x16xi32, #tpu.memory_space<vmem>> -> memref<1x16xi32, #tpu.memory_space<vmem>>
      %dma_start3A_358 = tpu.memref_squeeze %dma_start3A_357 : memref<1x16xi32, #tpu.memory_space<vmem>> -> memref<16xi32, #tpu.memory_space<vmem>>
      %dma_start3A_359 = arith.constant 0 : i32
      %dma_start3A_360 = arith.constant 0 : i32
      %dma_start3A_361 = tpu.memref_slice %arg3[%dma_start3A_359, %dma_start3A_360] : memref<8192x1024xf32, #tpu.memory_space<hbm>> -> memref<8192x1024xf32, #tpu.memory_space<hbm>>
      tpu.enqueue_indirect_dma source(%dma_start3A_361 : memref<8192x1024xf32, #tpu.memory_space<hbm>>) target(%dma_start3A_355 : memref<16x1024xf32, #tpu.memory_space<vmem>>) offsets(%dma_start3A_358 : memref<16xi32, #tpu.memory_space<vmem>>) semaphore(%arg7 : memref<!tpu.dma_semaphore, #tpu.memory_space<semaphore_mem>>)
      %add3A_362 = arith.constant 1 : i32
      %add3A_363 = arith.addi %add3A_226, %add3A_362 : i32
      %mul3A_364 = arith.constant 2 : i32
      %mul3A_365 = arith.muli %mul3A_364, %add3A_363 : i32
      %dma_wait3A_366 = arith.constant 0 : i32
      %dma_wait3A_367 = arith.constant 0 : i32
      %dma_wait3A_368 = arith.constant 0 : i32
      %dma_wait3A_369 = tpu.memref_slice %arg6[%dma_wait3A_366, %dma_wait3A_367, %dma_wait3A_368] : memref<4x16x1024xf32, #tpu.memory_space<vmem>> -> memref<1x16x1024xf32, #tpu.memory_space<vmem>>
      %dma_wait3A_370 = tpu.memref_squeeze %dma_wait3A_369 : memref<1x16x1024xf32, #tpu.memory_space<vmem>> -> memref<16x1024xf32, #tpu.memory_space<vmem>>
      %dma_wait3A_371 = arith.constant 0 : i32
      %dma_wait3A_372 = tpu.memref_slice %arg5[%mul3A_365, %dma_wait3A_371] : memref<64x16xi32, #tpu.memory_space<vmem>> -> memref<1x16xi32, #tpu.memory_space<vmem>>
      %dma_wait3A_373 = tpu.memref_squeeze %dma_wait3A_372 : memref<1x16xi32, #tpu.memory_space<vmem>> -> memref<16xi32, #tpu.memory_space<vmem>>
      %dma_wait3A_374 = arith.constant 0 : i32
      %dma_wait3A_375 = arith.constant 0 : i32
      %dma_wait3A_376 = tpu.memref_slice %arg3[%dma_wait3A_374, %dma_wait3A_375] : memref<8192x1024xf32, #tpu.memory_space<hbm>> -> memref<8192x1024xf32, #tpu.memory_space<hbm>>
      tpu.wait_indirect_dma semaphore(%arg7 : memref<!tpu.dma_semaphore, #tpu.memory_space<semaphore_mem>>) src(%dma_wait3A_376 : memref<8192x1024xf32, #tpu.memory_space<hbm>>) dst(%dma_wait3A_370 : memref<16x1024xf32, #tpu.memory_space<vmem>>)
      %mul3A_377 = arith.constant 2 : i32
      %mul3A_378 = arith.muli %mul3A_377, %add3A_363 : i32
      %add3A_379 = arith.constant 1 : i32
      %add3A_380 = arith.addi %mul3A_378, %add3A_379 : i32
      %dma_wait3A_381 = arith.constant 1 : i32
      %dma_wait3A_382 = arith.constant 0 : i32
      %dma_wait3A_383 = arith.constant 0 : i32
      %dma_wait3A_384 = tpu.memref_slice %arg6[%dma_wait3A_381, %dma_wait3A_382, %dma_wait3A_383] : memref<4x16x1024xf32, #tpu.memory_space<vmem>> -> memref<1x16x1024xf32, #tpu.memory_space<vmem>>
      %dma_wait3A_385 = tpu.memref_squeeze %dma_wait3A_384 : memref<1x16x1024xf32, #tpu.memory_space<vmem>> -> memref<16x1024xf32, #tpu.memory_space<vmem>>
      %dma_wait3A_386 = arith.constant 0 : i32
      %dma_wait3A_387 = tpu.memref_slice %arg5[%add3A_380, %dma_wait3A_386] : memref<64x16xi32, #tpu.memory_space<vmem>> -> memref<1x16xi32, #tpu.memory_space<vmem>>
      %dma_wait3A_388 = tpu.memref_squeeze %dma_wait3A_387 : memref<1x16xi32, #tpu.memory_space<vmem>> -> memref<16xi32, #tpu.memory_space<vmem>>
      %dma_wait3A_389 = arith.constant 0 : i32
      %dma_wait3A_390 = arith.constant 0 : i32
      %dma_wait3A_391 = tpu.memref_slice %arg3[%dma_wait3A_389, %dma_wait3A_390] : memref<8192x1024xf32, #tpu.memory_space<hbm>> -> memref<8192x1024xf32, #tpu.memory_space<hbm>>
      tpu.wait_indirect_dma semaphore(%arg7 : memref<!tpu.dma_semaphore, #tpu.memory_space<semaphore_mem>>) src(%dma_wait3A_391 : memref<8192x1024xf32, #tpu.memory_space<hbm>>) dst(%dma_wait3A_385 : memref<16x1024xf32, #tpu.memory_space<vmem>>)
      %mul3A_392 = arith.constant 2 : i32
      %mul3A_393 = arith.muli %mul3A_392, %add3A_363 : i32
      %mul3A_394 = arith.constant 16 : i32
      %mul3A_395 = arith.muli %mul3A_393, %mul3A_394 : i32
      %add3A_396 = arith.addi %mul3A_2, %mul3A_395 : i32
      %dma_start3A_397 = arith.constant 0 : i32
      %dma_start3A_398 = arith.constant 0 : i32
      %dma_start3A_399 = arith.constant 0 : i32
      %dma_start3A_400 = tpu.memref_slice %arg6[%dma_start3A_397, %dma_start3A_398, %dma_start3A_399] : memref<4x16x1024xf32, #tpu.memory_space<vmem>> -> memref<1x16x1024xf32, #tpu.memory_space<vmem>>
      %dma_start3A_401 = tpu.memref_squeeze %dma_start3A_400 : memref<1x16x1024xf32, #tpu.memory_space<vmem>> -> memref<16x1024xf32, #tpu.memory_space<vmem>>
      %dma_start3A_402 = arith.constant 0 : i32
      %dma_start3A_403 = tpu.memref_slice %arg4[%add3A_396, %dma_start3A_402] : memref<32768x1024xf32, #tpu.memory_space<hbm>> -> memref<16x1024xf32, #tpu.memory_space<hbm>>
      %dma_start3A_404 = arith.constant 0 : i32
      %dma_start3A_405 = tpu.memref_slice %arg4[%add3A_396, %dma_start3A_404] : memref<32768x1024xf32, #tpu.memory_space<hbm>> -> memref<16x1024xf32, #tpu.memory_space<hbm>>
      %dma_start3A_406 = arith.constant 0 : i32
      %dma_start3A_407 = arith.constant 0 : i32
      %dma_start3A_408 = tpu.memref_slice %arg6[%dma_start3A_397, %dma_start3A_406, %dma_start3A_407] : memref<4x16x1024xf32, #tpu.memory_space<vmem>> -> memref<1x16x1024xf32, #tpu.memory_space<vmem>>
      %dma_start3A_409 = tpu.memref_squeeze %dma_start3A_408 : memref<1x16x1024xf32, #tpu.memory_space<vmem>> -> memref<16x1024xf32, #tpu.memory_space<vmem>>
      tpu.enqueue_dma source(%dma_start3A_409 : memref<16x1024xf32, #tpu.memory_space<vmem>>) target(%dma_start3A_405 : memref<16x1024xf32, #tpu.memory_space<hbm>>) target_semaphore(%arg9 : memref<!tpu.dma_semaphore, #tpu.memory_space<semaphore_mem>>)
      %mul3A_410 = arith.constant 2 : i32
      %mul3A_411 = arith.muli %mul3A_410, %add3A_363 : i32
      %add3A_412 = arith.constant 1 : i32
      %add3A_413 = arith.addi %mul3A_411, %add3A_412 : i32
      %mul3A_414 = arith.constant 16 : i32
      %mul3A_415 = arith.muli %add3A_413, %mul3A_414 : i32
      %add3A_416 = arith.addi %mul3A_2, %mul3A_415 : i32
      %dma_start3A_417 = arith.constant 1 : i32
      %dma_start3A_418 = arith.constant 0 : i32
      %dma_start3A_419 = arith.constant 0 : i32
      %dma_start3A_420 = tpu.memref_slice %arg6[%dma_start3A_417, %dma_start3A_418, %dma_start3A_419] : memref<4x16x1024xf32, #tpu.memory_space<vmem>> -> memref<1x16x1024xf32, #tpu.memory_space<vmem>>
      %dma_start3A_421 = tpu.memref_squeeze %dma_start3A_420 : memref<1x16x1024xf32, #tpu.memory_space<vmem>> -> memref<16x1024xf32, #tpu.memory_space<vmem>>
      %dma_start3A_422 = arith.constant 0 : i32
      %dma_start3A_423 = tpu.memref_slice %arg4[%add3A_416, %dma_start3A_422] : memref<32768x1024xf32, #tpu.memory_space<hbm>> -> memref<16x1024xf32, #tpu.memory_space<hbm>>
      %dma_start3A_424 = arith.constant 0 : i32
      %dma_start3A_425 = tpu.memref_slice %arg4[%add3A_416, %dma_start3A_424] : memref<32768x1024xf32, #tpu.memory_space<hbm>> -> memref<16x1024xf32, #tpu.memory_space<hbm>>
      %dma_start3A_426 = arith.constant 0 : i32
      %dma_start3A_427 = arith.constant 0 : i32
      %dma_start3A_428 = tpu.memref_slice %arg6[%dma_start3A_417, %dma_start3A_426, %dma_start3A_427] : memref<4x16x1024xf32, #tpu.memory_space<vmem>> -> memref<1x16x1024xf32, #tpu.memory_space<vmem>>
      %dma_start3A_429 = tpu.memref_squeeze %dma_start3A_428 : memref<1x16x1024xf32, #tpu.memory_space<vmem>> -> memref<16x1024xf32, #tpu.memory_space<vmem>>
      tpu.enqueue_dma source(%dma_start3A_429 : memref<16x1024xf32, #tpu.memory_space<vmem>>) target(%dma_start3A_425 : memref<16x1024xf32, #tpu.memory_space<hbm>>) target_semaphore(%arg9 : memref<!tpu.dma_semaphore, #tpu.memory_space<semaphore_mem>>)
      %mul3A_430 = arith.constant 2 : i32
      %mul3A_431 = arith.muli %mul3A_430, %add3A_363 : i32
      %sub3A_432 = arith.constant 2 : i32
      %sub3A_433 = arith.subi %mul3A_431, %sub3A_432 : i32
      %mul3A_434 = arith.constant 16 : i32
      %mul3A_435 = arith.muli %sub3A_433, %mul3A_434 : i32
      %add3A_436 = arith.addi %mul3A_2, %mul3A_435 : i32
      %dma_wait3A_437 = arith.constant 2 : i32
      %dma_wait3A_438 = arith.constant 0 : i32
      %dma_wait3A_439 = arith.constant 0 : i32
      %dma_wait3A_440 = tpu.memref_slice %arg6[%dma_wait3A_437, %dma_wait3A_438, %dma_wait3A_439] : memref<4x16x1024xf32, #tpu.memory_space<vmem>> -> memref<1x16x1024xf32, #tpu.memory_space<vmem>>
      %dma_wait3A_441 = tpu.memref_squeeze %dma_wait3A_440 : memref<1x16x1024xf32, #tpu.memory_space<vmem>> -> memref<16x1024xf32, #tpu.memory_space<vmem>>
      %dma_wait3A_442 = arith.constant 0 : i32
      %dma_wait3A_443 = tpu.memref_slice %arg4[%add3A_436, %dma_wait3A_442] : memref<32768x1024xf32, #tpu.memory_space<hbm>> -> memref<16x1024xf32, #tpu.memory_space<hbm>>
      %dma_wait3A_444 = arith.constant 0 : i32
      %dma_wait3A_445 = tpu.memref_slice %arg4[%add3A_436, %dma_wait3A_444] : memref<32768x1024xf32, #tpu.memory_space<hbm>> -> memref<16x1024xf32, #tpu.memory_space<hbm>>
      %dma_wait3A_446 = arith.constant 0 : i32
      %dma_wait3A_447 = arith.constant 0 : i32
      %dma_wait3A_448 = tpu.memref_slice %arg6[%dma_wait3A_437, %dma_wait3A_446, %dma_wait3A_447] : memref<4x16x1024xf32, #tpu.memory_space<vmem>> -> memref<1x16x1024xf32, #tpu.memory_space<vmem>>
      %dma_wait3A_449 = tpu.memref_squeeze %dma_wait3A_448 : memref<1x16x1024xf32, #tpu.memory_space<vmem>> -> memref<16x1024xf32, #tpu.memory_space<vmem>>
      tpu.wait_dma2 semaphore(%arg10 : memref<!tpu.dma_semaphore, #tpu.memory_space<semaphore_mem>>) src(%dma_wait3A_449 : memref<16x1024xf32, #tpu.memory_space<vmem>>) dst(%dma_wait3A_445 : memref<16x1024xf32, #tpu.memory_space<hbm>>)
      %mul3A_450 = arith.constant 2 : i32
      %mul3A_451 = arith.muli %mul3A_450, %add3A_363 : i32
      %sub3A_452 = arith.constant 1 : i32
      %sub3A_453 = arith.subi %mul3A_451, %sub3A_452 : i32
      %mul3A_454 = arith.constant 16 : i32
      %mul3A_455 = arith.muli %sub3A_453, %mul3A_454 : i32
      %add3A_456 = arith.addi %mul3A_2, %mul3A_455 : i32
      %dma_wait3A_457 = arith.constant 3 : i32
      %dma_wait3A_458 = arith.constant 0 : i32
      %dma_wait3A_459 = arith.constant 0 : i32
      %dma_wait3A_460 = tpu.memref_slice %arg6[%dma_wait3A_457, %dma_wait3A_458, %dma_wait3A_459] : memref<4x16x1024xf32, #tpu.memory_space<vmem>> -> memref<1x16x1024xf32, #tpu.memory_space<vmem>>
      %dma_wait3A_461 = tpu.memref_squeeze %dma_wait3A_460 : memref<1x16x1024xf32, #tpu.memory_space<vmem>> -> memref<16x1024xf32, #tpu.memory_space<vmem>>
      %dma_wait3A_462 = arith.constant 0 : i32
      %dma_wait3A_463 = tpu.memref_slice %arg4[%add3A_456, %dma_wait3A_462] : memref<32768x1024xf32, #tpu.memory_space<hbm>> -> memref<16x1024xf32, #tpu.memory_space<hbm>>
      %dma_wait3A_464 = arith.constant 0 : i32
      %dma_wait3A_465 = tpu.memref_slice %arg4[%add3A_456, %dma_wait3A_464] : memref<32768x1024xf32, #tpu.memory_space<hbm>> -> memref<16x1024xf32, #tpu.memory_space<hbm>>
      %dma_wait3A_466 = arith.constant 0 : i32
      %dma_wait3A_467 = arith.constant 0 : i32
      %dma_wait3A_468 = tpu.memref_slice %arg6[%dma_wait3A_457, %dma_wait3A_466, %dma_wait3A_467] : memref<4x16x1024xf32, #tpu.memory_space<vmem>> -> memref<1x16x1024xf32, #tpu.memory_space<vmem>>
      %dma_wait3A_469 = tpu.memref_squeeze %dma_wait3A_468 : memref<1x16x1024xf32, #tpu.memory_space<vmem>> -> memref<16x1024xf32, #tpu.memory_space<vmem>>
      tpu.wait_dma2 semaphore(%arg10 : memref<!tpu.dma_semaphore, #tpu.memory_space<semaphore_mem>>) src(%dma_wait3A_469 : memref<16x1024xf32, #tpu.memory_space<vmem>>) dst(%dma_wait3A_465 : memref<16x1024xf32, #tpu.memory_space<hbm>>)
      %add3A_470 = arith.constant 1 : i32
      %add3A_471 = arith.addi %add3A_363, %add3A_470 : i32
      %mul3A_472 = arith.constant 2 : i32
      %mul3A_473 = arith.muli %mul3A_472, %add3A_471 : i32
      %dma_start3A_474 = arith.constant 2 : i32
      %dma_start3A_475 = arith.constant 0 : i32
      %dma_start3A_476 = arith.constant 0 : i32
      %dma_start3A_477 = tpu.memref_slice %arg6[%dma_start3A_474, %dma_start3A_475, %dma_start3A_476] : memref<4x16x1024xf32, #tpu.memory_space<vmem>> -> memref<1x16x1024xf32, #tpu.memory_space<vmem>>
      %dma_start3A_478 = tpu.memref_squeeze %dma_start3A_477 : memref<1x16x1024xf32, #tpu.memory_space<vmem>> -> memref<16x1024xf32, #tpu.memory_space<vmem>>
      %dma_start3A_479 = arith.constant 0 : i32
      %dma_start3A_480 = tpu.memref_slice %arg5[%mul3A_473, %dma_start3A_479] : memref<64x16xi32, #tpu.memory_space<vmem>> -> memref<1x16xi32, #tpu.memory_space<vmem>>
      %dma_start3A_481 = tpu.memref_squeeze %dma_start3A_480 : memref<1x16xi32, #tpu.memory_space<vmem>> -> memref<16xi32, #tpu.memory_space<vmem>>
      %dma_start3A_482 = arith.constant 0 : i32
      %dma_start3A_483 = arith.constant 0 : i32
      %dma_start3A_484 = tpu.memref_slice %arg3[%dma_start3A_482, %dma_start3A_483] : memref<8192x1024xf32, #tpu.memory_space<hbm>> -> memref<8192x1024xf32, #tpu.memory_space<hbm>>
      tpu.enqueue_indirect_dma source(%dma_start3A_484 : memref<8192x1024xf32, #tpu.memory_space<hbm>>) target(%dma_start3A_478 : memref<16x1024xf32, #tpu.memory_space<vmem>>) offsets(%dma_start3A_481 : memref<16xi32, #tpu.memory_space<vmem>>) semaphore(%arg8 : memref<!tpu.dma_semaphore, #tpu.memory_space<semaphore_mem>>)
      %mul3A_485 = arith.constant 2 : i32
      %mul3A_486 = arith.muli %mul3A_485, %add3A_471 : i32
      %add3A_487 = arith.constant 1 : i32
      %add3A_488 = arith.addi %mul3A_486, %add3A_487 : i32
      %dma_start3A_489 = arith.constant 3 : i32
      %dma_start3A_490 = arith.constant 0 : i32
      %dma_start3A_491 = arith.constant 0 : i32
      %dma_start3A_492 = tpu.memref_slice %arg6[%dma_start3A_489, %dma_start3A_490, %dma_start3A_491] : memref<4x16x1024xf32, #tpu.memory_space<vmem>> -> memref<1x16x1024xf32, #tpu.memory_space<vmem>>
      %dma_start3A_493 = tpu.memref_squeeze %dma_start3A_492 : memref<1x16x1024xf32, #tpu.memory_space<vmem>> -> memref<16x1024xf32, #tpu.memory_space<vmem>>
      %dma_start3A_494 = arith.constant 0 : i32
      %dma_start3A_495 = tpu.memref_slice %arg5[%add3A_488, %dma_start3A_494] : memref<64x16xi32, #tpu.memory_space<vmem>> -> memref<1x16xi32, #tpu.memory_space<vmem>>
      %dma_start3A_496 = tpu.memref_squeeze %dma_start3A_495 : memref<1x16xi32, #tpu.memory_space<vmem>> -> memref<16xi32, #tpu.memory_space<vmem>>
      %dma_start3A_497 = arith.constant 0 : i32
      %dma_start3A_498 = arith.constant 0 : i32
      %dma_start3A_499 = tpu.memref_slice %arg3[%dma_start3A_497, %dma_start3A_498] : memref<8192x1024xf32, #tpu.memory_space<hbm>> -> memref<8192x1024xf32, #tpu.memory_space<hbm>>
      tpu.enqueue_indirect_dma source(%dma_start3A_499 : memref<8192x1024xf32, #tpu.memory_space<hbm>>) target(%dma_start3A_493 : memref<16x1024xf32, #tpu.memory_space<vmem>>) offsets(%dma_start3A_496 : memref<16xi32, #tpu.memory_space<vmem>>) semaphore(%arg8 : memref<!tpu.dma_semaphore, #tpu.memory_space<semaphore_mem>>)
    }
    %scan3A_107 = arith.constant 15 : i32
    %dma_wait3A_108 = arith.constant 62 : i32
    %dma_wait3A_109 = arith.constant 2 : i32
    %dma_wait3A_110 = arith.constant 0 : i32
    %dma_wait3A_111 = arith.constant 0 : i32
    %dma_wait3A_112 = tpu.memref_slice %arg6[%dma_wait3A_109, %dma_wait3A_110, %dma_wait3A_111] : memref<4x16x1024xf32, #tpu.memory_space<vmem>> -> memref<1x16x1024xf32, #tpu.memory_space<vmem>>
    %dma_wait3A_113 = tpu.memref_squeeze %dma_wait3A_112 : memref<1x16x1024xf32, #tpu.memory_space<vmem>> -> memref<16x1024xf32, #tpu.memory_space<vmem>>
    %dma_wait3A_114 = arith.constant 0 : i32
    %dma_wait3A_115 = tpu.memref_slice %arg5[%dma_wait3A_108, %dma_wait3A_114] : memref<64x16xi32, #tpu.memory_space<vmem>> -> memref<1x16xi32, #tpu.memory_space<vmem>>
    %dma_wait3A_116 = tpu.memref_squeeze %dma_wait3A_115 : memref<1x16xi32, #tpu.memory_space<vmem>> -> memref<16xi32, #tpu.memory_space<vmem>>
    %dma_wait3A_117 = arith.constant 0 : i32
    %dma_wait3A_118 = arith.constant 0 : i32
    %dma_wait3A_119 = tpu.memref_slice %arg3[%dma_wait3A_117, %dma_wait3A_118] : memref<8192x1024xf32, #tpu.memory_space<hbm>> -> memref<8192x1024xf32, #tpu.memory_space<hbm>>
    tpu.wait_indirect_dma semaphore(%arg8 : memref<!tpu.dma_semaphore, #tpu.memory_space<semaphore_mem>>) src(%dma_wait3A_119 : memref<8192x1024xf32, #tpu.memory_space<hbm>>) dst(%dma_wait3A_113 : memref<16x1024xf32, #tpu.memory_space<vmem>>)
    %dma_wait3A_120 = arith.constant 63 : i32
    %dma_wait3A_121 = arith.constant 3 : i32
    %dma_wait3A_122 = arith.constant 0 : i32
    %dma_wait3A_123 = arith.constant 0 : i32
    %dma_wait3A_124 = tpu.memref_slice %arg6[%dma_wait3A_121, %dma_wait3A_122, %dma_wait3A_123] : memref<4x16x1024xf32, #tpu.memory_space<vmem>> -> memref<1x16x1024xf32, #tpu.memory_space<vmem>>
    %dma_wait3A_125 = tpu.memref_squeeze %dma_wait3A_124 : memref<1x16x1024xf32, #tpu.memory_space<vmem>> -> memref<16x1024xf32, #tpu.memory_space<vmem>>
    %dma_wait3A_126 = arith.constant 0 : i32
    %dma_wait3A_127 = tpu.memref_slice %arg5[%dma_wait3A_120, %dma_wait3A_126] : memref<64x16xi32, #tpu.memory_space<vmem>> -> memref<1x16xi32, #tpu.memory_space<vmem>>
    %dma_wait3A_128 = tpu.memref_squeeze %dma_wait3A_127 : memref<1x16xi32, #tpu.memory_space<vmem>> -> memref<16xi32, #tpu.memory_space<vmem>>
    %dma_wait3A_129 = arith.constant 0 : i32
    %dma_wait3A_130 = arith.constant 0 : i32
    %dma_wait3A_131 = tpu.memref_slice %arg3[%dma_wait3A_129, %dma_wait3A_130] : memref<8192x1024xf32, #tpu.memory_space<hbm>> -> memref<8192x1024xf32, #tpu.memory_space<hbm>>
    tpu.wait_indirect_dma semaphore(%arg8 : memref<!tpu.dma_semaphore, #tpu.memory_space<semaphore_mem>>) src(%dma_wait3A_131 : memref<8192x1024xf32, #tpu.memory_space<hbm>>) dst(%dma_wait3A_125 : memref<16x1024xf32, #tpu.memory_space<vmem>>)
    %add3A_132 = arith.constant 992 : i32
    %add3A_133 = arith.addi %mul3A_2, %add3A_132 : i32
    %dma_start3A_134 = arith.constant 2 : i32
    %dma_start3A_135 = arith.constant 0 : i32
    %dma_start3A_136 = arith.constant 0 : i32
    %dma_start3A_137 = tpu.memref_slice %arg6[%dma_start3A_134, %dma_start3A_135, %dma_start3A_136] : memref<4x16x1024xf32, #tpu.memory_space<vmem>> -> memref<1x16x1024xf32, #tpu.memory_space<vmem>>
    %dma_start3A_138 = tpu.memref_squeeze %dma_start3A_137 : memref<1x16x1024xf32, #tpu.memory_space<vmem>> -> memref<16x1024xf32, #tpu.memory_space<vmem>>
    %dma_start3A_139 = arith.constant 0 : i32
    %dma_start3A_140 = tpu.memref_slice %arg4[%add3A_133, %dma_start3A_139] : memref<32768x1024xf32, #tpu.memory_space<hbm>> -> memref<16x1024xf32, #tpu.memory_space<hbm>>
    %dma_start3A_141 = arith.constant 0 : i32
    %dma_start3A_142 = tpu.memref_slice %arg4[%add3A_133, %dma_start3A_141] : memref<32768x1024xf32, #tpu.memory_space<hbm>> -> memref<16x1024xf32, #tpu.memory_space<hbm>>
    %dma_start3A_143 = arith.constant 0 : i32
    %dma_start3A_144 = arith.constant 0 : i32
    %dma_start3A_145 = tpu.memref_slice %arg6[%dma_start3A_134, %dma_start3A_143, %dma_start3A_144] : memref<4x16x1024xf32, #tpu.memory_space<vmem>> -> memref<1x16x1024xf32, #tpu.memory_space<vmem>>
    %dma_start3A_146 = tpu.memref_squeeze %dma_start3A_145 : memref<1x16x1024xf32, #tpu.memory_space<vmem>> -> memref<16x1024xf32, #tpu.memory_space<vmem>>
    tpu.enqueue_dma source(%dma_start3A_146 : memref<16x1024xf32, #tpu.memory_space<vmem>>) target(%dma_start3A_142 : memref<16x1024xf32, #tpu.memory_space<hbm>>) target_semaphore(%arg10 : memref<!tpu.dma_semaphore, #tpu.memory_space<semaphore_mem>>)
    %add3A_147 = arith.constant 1008 : i32
    %add3A_148 = arith.addi %mul3A_2, %add3A_147 : i32
    %dma_start3A_149 = arith.constant 3 : i32
    %dma_start3A_150 = arith.constant 0 : i32
    %dma_start3A_151 = arith.constant 0 : i32
    %dma_start3A_152 = tpu.memref_slice %arg6[%dma_start3A_149, %dma_start3A_150, %dma_start3A_151] : memref<4x16x1024xf32, #tpu.memory_space<vmem>> -> memref<1x16x1024xf32, #tpu.memory_space<vmem>>
    %dma_start3A_153 = tpu.memref_squeeze %dma_start3A_152 : memref<1x16x1024xf32, #tpu.memory_space<vmem>> -> memref<16x1024xf32, #tpu.memory_space<vmem>>
    %dma_start3A_154 = arith.constant 0 : i32
    %dma_start3A_155 = tpu.memref_slice %arg4[%add3A_148, %dma_start3A_154] : memref<32768x1024xf32, #tpu.memory_space<hbm>> -> memref<16x1024xf32, #tpu.memory_space<hbm>>
    %dma_start3A_156 = arith.constant 0 : i32
    %dma_start3A_157 = tpu.memref_slice %arg4[%add3A_148, %dma_start3A_156] : memref<32768x1024xf32, #tpu.memory_space<hbm>> -> memref<16x1024xf32, #tpu.memory_space<hbm>>
    %dma_start3A_158 = arith.constant 0 : i32
    %dma_start3A_159 = arith.constant 0 : i32
    %dma_start3A_160 = tpu.memref_slice %arg6[%dma_start3A_149, %dma_start3A_158, %dma_start3A_159] : memref<4x16x1024xf32, #tpu.memory_space<vmem>> -> memref<1x16x1024xf32, #tpu.memory_space<vmem>>
    %dma_start3A_161 = tpu.memref_squeeze %dma_start3A_160 : memref<1x16x1024xf32, #tpu.memory_space<vmem>> -> memref<16x1024xf32, #tpu.memory_space<vmem>>
    tpu.enqueue_dma source(%dma_start3A_161 : memref<16x1024xf32, #tpu.memory_space<vmem>>) target(%dma_start3A_157 : memref<16x1024xf32, #tpu.memory_space<hbm>>) target_semaphore(%arg10 : memref<!tpu.dma_semaphore, #tpu.memory_space<semaphore_mem>>)
    %add3A_162 = arith.constant 960 : i32
    %add3A_163 = arith.addi %mul3A_2, %add3A_162 : i32
    %dma_wait3A_164 = arith.constant 0 : i32
    %dma_wait3A_165 = arith.constant 0 : i32
    %dma_wait3A_166 = arith.constant 0 : i32
    %dma_wait3A_167 = tpu.memref_slice %arg6[%dma_wait3A_164, %dma_wait3A_165, %dma_wait3A_166] : memref<4x16x1024xf32, #tpu.memory_space<vmem>> -> memref<1x16x1024xf32, #tpu.memory_space<vmem>>
    %dma_wait3A_168 = tpu.memref_squeeze %dma_wait3A_167 : memref<1x16x1024xf32, #tpu.memory_space<vmem>> -> memref<16x1024xf32, #tpu.memory_space<vmem>>
    %dma_wait3A_169 = arith.constant 0 : i32
    %dma_wait3A_170 = tpu.memref_slice %arg4[%add3A_163, %dma_wait3A_169] : memref<32768x1024xf32, #tpu.memory_space<hbm>> -> memref<16x1024xf32, #tpu.memory_space<hbm>>
    %dma_wait3A_171 = arith.constant 0 : i32
    %dma_wait3A_172 = tpu.memref_slice %arg4[%add3A_163, %dma_wait3A_171] : memref<32768x1024xf32, #tpu.memory_space<hbm>> -> memref<16x1024xf32, #tpu.memory_space<hbm>>
    %dma_wait3A_173 = arith.constant 0 : i32
    %dma_wait3A_174 = arith.constant 0 : i32
    %dma_wait3A_175 = tpu.memref_slice %arg6[%dma_wait3A_164, %dma_wait3A_173, %dma_wait3A_174] : memref<4x16x1024xf32, #tpu.memory_space<vmem>> -> memref<1x16x1024xf32, #tpu.memory_space<vmem>>
    %dma_wait3A_176 = tpu.memref_squeeze %dma_wait3A_175 : memref<1x16x1024xf32, #tpu.memory_space<vmem>> -> memref<16x1024xf32, #tpu.memory_space<vmem>>
    tpu.wait_dma2 semaphore(%arg9 : memref<!tpu.dma_semaphore, #tpu.memory_space<semaphore_mem>>) src(%dma_wait3A_176 : memref<16x1024xf32, #tpu.memory_space<vmem>>) dst(%dma_wait3A_172 : memref<16x1024xf32, #tpu.memory_space<hbm>>)
    %add3A_177 = arith.constant 976 : i32
    %add3A_178 = arith.addi %mul3A_2, %add3A_177 : i32
    %dma_wait3A_179 = arith.constant 1 : i32
    %dma_wait3A_180 = arith.constant 0 : i32
    %dma_wait3A_181 = arith.constant 0 : i32
    %dma_wait3A_182 = tpu.memref_slice %arg6[%dma_wait3A_179, %dma_wait3A_180, %dma_wait3A_181] : memref<4x16x1024xf32, #tpu.memory_space<vmem>> -> memref<1x16x1024xf32, #tpu.memory_space<vmem>>
    %dma_wait3A_183 = tpu.memref_squeeze %dma_wait3A_182 : memref<1x16x1024xf32, #tpu.memory_space<vmem>> -> memref<16x1024xf32, #tpu.memory_space<vmem>>
    %dma_wait3A_184 = arith.constant 0 : i32
    %dma_wait3A_185 = tpu.memref_slice %arg4[%add3A_178, %dma_wait3A_184] : memref<32768x1024xf32, #tpu.memory_space<hbm>> -> memref<16x1024xf32, #tpu.memory_space<hbm>>
    %dma_wait3A_186 = arith.constant 0 : i32
    %dma_wait3A_187 = tpu.memref_slice %arg4[%add3A_178, %dma_wait3A_186] : memref<32768x1024xf32, #tpu.memory_space<hbm>> -> memref<16x1024xf32, #tpu.memory_space<hbm>>
    %dma_wait3A_188 = arith.constant 0 : i32
    %dma_wait3A_189 = arith.constant 0 : i32
    %dma_wait3A_190 = tpu.memref_slice %arg6[%dma_wait3A_179, %dma_wait3A_188, %dma_wait3A_189] : memref<4x16x1024xf32, #tpu.memory_space<vmem>> -> memref<1x16x1024xf32, #tpu.memory_space<vmem>>
    %dma_wait3A_191 = tpu.memref_squeeze %dma_wait3A_190 : memref<1x16x1024xf32, #tpu.memory_space<vmem>> -> memref<16x1024xf32, #tpu.memory_space<vmem>>
    tpu.wait_dma2 semaphore(%arg9 : memref<!tpu.dma_semaphore, #tpu.memory_space<semaphore_mem>>) src(%dma_wait3A_191 : memref<16x1024xf32, #tpu.memory_space<vmem>>) dst(%dma_wait3A_187 : memref<16x1024xf32, #tpu.memory_space<hbm>>)
    %add3A_192 = arith.constant 992 : i32
    %add3A_193 = arith.addi %mul3A_2, %add3A_192 : i32
    %dma_wait3A_194 = arith.constant 2 : i32
    %dma_wait3A_195 = arith.constant 0 : i32
    %dma_wait3A_196 = arith.constant 0 : i32
    %dma_wait3A_197 = tpu.memref_slice %arg6[%dma_wait3A_194, %dma_wait3A_195, %dma_wait3A_196] : memref<4x16x1024xf32, #tpu.memory_space<vmem>> -> memref<1x16x1024xf32, #tpu.memory_space<vmem>>
    %dma_wait3A_198 = tpu.memref_squeeze %dma_wait3A_197 : memref<1x16x1024xf32, #tpu.memory_space<vmem>> -> memref<16x1024xf32, #tpu.memory_space<vmem>>
    %dma_wait3A_199 = arith.constant 0 : i32
    %dma_wait3A_200 = tpu.memref_slice %arg4[%add3A_193, %dma_wait3A_199] : memref<32768x1024xf32, #tpu.memory_space<hbm>> -> memref<16x1024xf32, #tpu.memory_space<hbm>>
    %dma_wait3A_201 = arith.constant 0 : i32
    %dma_wait3A_202 = tpu.memref_slice %arg4[%add3A_193, %dma_wait3A_201] : memref<32768x1024xf32, #tpu.memory_space<hbm>> -> memref<16x1024xf32, #tpu.memory_space<hbm>>
    %dma_wait3A_203 = arith.constant 0 : i32
    %dma_wait3A_204 = arith.constant 0 : i32
    %dma_wait3A_205 = tpu.memref_slice %arg6[%dma_wait3A_194, %dma_wait3A_203, %dma_wait3A_204] : memref<4x16x1024xf32, #tpu.memory_space<vmem>> -> memref<1x16x1024xf32, #tpu.memory_space<vmem>>
    %dma_wait3A_206 = tpu.memref_squeeze %dma_wait3A_205 : memref<1x16x1024xf32, #tpu.memory_space<vmem>> -> memref<16x1024xf32, #tpu.memory_space<vmem>>
    tpu.wait_dma2 semaphore(%arg10 : memref<!tpu.dma_semaphore, #tpu.memory_space<semaphore_mem>>) src(%dma_wait3A_206 : memref<16x1024xf32, #tpu.memory_space<vmem>>) dst(%dma_wait3A_202 : memref<16x1024xf32, #tpu.memory_space<hbm>>)
    %add3A_207 = arith.constant 1008 : i32
    %add3A_208 = arith.addi %mul3A_2, %add3A_207 : i32
    %dma_wait3A_209 = arith.constant 3 : i32
    %dma_wait3A_210 = arith.constant 0 : i32
    %dma_wait3A_211 = arith.constant 0 : i32
    %dma_wait3A_212 = tpu.memref_slice %arg6[%dma_wait3A_209, %dma_wait3A_210, %dma_wait3A_211] : memref<4x16x1024xf32, #tpu.memory_space<vmem>> -> memref<1x16x1024xf32, #tpu.memory_space<vmem>>
    %dma_wait3A_213 = tpu.memref_squeeze %dma_wait3A_212 : memref<1x16x1024xf32, #tpu.memory_space<vmem>> -> memref<16x1024xf32, #tpu.memory_space<vmem>>
    %dma_wait3A_214 = arith.constant 0 : i32
    %dma_wait3A_215 = tpu.memref_slice %arg4[%add3A_208, %dma_wait3A_214] : memref<32768x1024xf32, #tpu.memory_space<hbm>> -> memref<16x1024xf32, #tpu.memory_space<hbm>>
    %dma_wait3A_216 = arith.constant 0 : i32
    %dma_wait3A_217 = tpu.memref_slice %arg4[%add3A_208, %dma_wait3A_216] : memref<32768x1024xf32, #tpu.memory_space<hbm>> -> memref<16x1024xf32, #tpu.memory_space<hbm>>
    %dma_wait3A_218 = arith.constant 0 : i32
    %dma_wait3A_219 = arith.constant 0 : i32
    %dma_wait3A_220 = tpu.memref_slice %arg6[%dma_wait3A_209, %dma_wait3A_218, %dma_wait3A_219] : memref<4x16x1024xf32, #tpu.memory_space<vmem>> -> memref<1x16x1024xf32, #tpu.memory_space<vmem>>
    %dma_wait3A_221 = tpu.memref_squeeze %dma_wait3A_220 : memref<1x16x1024xf32, #tpu.memory_space<vmem>> -> memref<16x1024xf32, #tpu.memory_space<vmem>>
    tpu.wait_dma2 semaphore(%arg10 : memref<!tpu.dma_semaphore, #tpu.memory_space<semaphore_mem>>) src(%dma_wait3A_221 : memref<16x1024xf32, #tpu.memory_space<vmem>>) dst(%dma_wait3A_217 : memref<16x1024xf32, #tpu.memory_space<hbm>>)
    return
  }
}

</mosaic_0001>

<sc_bundles>
// kernel: kernel.3.cloned.1.call-start
scs
__scs_entry_jumppad:
0x0: {  	(pc) =	sbr.rel $0x88, $3  }
0x1: {  	(tag) =	ssettag $0x0;
	lr =	simm.s32 $0x1  }
0x2: {  	[smem:$0x3F9F] =	sst lr;
	_ =	strace $0xD0000000  }
0x3: {  	_ = 	snop  }
0x4: {  	_ = 	snop  }
0x5: {  	_ = 	snop  }
0x6: {  	_ = 	snop  }
0x7: {  	_ = 	snop  }
__scs_overlays_trampoline_lowered:
0x8: {  	[smem:$0x3FAE] =	sst s0  }
0x9: {  	[smem:$0x3FAF] =	sst s1  }
0xa: {  	[smem:$0x3FB0] =	sst s2  }
0xb: {  	[smem:$0x3FB1] =	sst s3  }
0xc: {  	[smem:$0x3FB2] =	sst s4  }
0xd: {  	[smem:$0x3FB3] =	sst s5  }
0xe: {  	[smem:$0x3FB4] =	sst s6  }
0xf: {  	[smem:$0x3FB5] =	sst s7  }
0x10: {  	[smem:$0x3FB6] =	sst s8  }
0x11: {  	[smem:$0x3FB7] =	sst s9;
	s0 =	simm.s32 @!p0 $0x0  }
0x12: {  	s1 =	sld [smem:$0x3F9D];
	s0 =	simm.s32 @p0 $0x1  }
0x13: {  	[smem:$0x3FB8] =	sst s0;
	s0 =	simm.s32 @!p1 $0x0  }
0x14: {  	s2 =	sld [smem:$0x3F9C];
	s0 =	simm.s32 @p1 $0x1  }
0x15: {  	[smem:$0x3FB9] =	sst s0;
	s0 =	simm.s32 @!p2 $0x0  }
0x16: {  	s3 =	sld [smem:$0x3FDB];
	s0 =	simm.s32 @p2 $0x1  }
0x17: {  	s4 =	simm.s32 $0x1BF5;
	[smem:$0x3FBB] =	sst s0  }
0x18: {  	s0 =	sld [smem:$0x3F9E];
	_ =	swait.ge [sflag:s4], $0x0  }
0x19: {  	s7 =	sld [smem:$0x3F9F]  }
0x1a: {  	s8 =	sadd.s32 $0xFFFFE003, lr  }
0x1b: {  	s9 =	sadd.s32 $0xFFFFFEF7, lr;
	s5 =	simm.s32 $0xFFFFFFFF;
	p2 =	slt.u32 s8, $0xFFFFF086  }
0x1c: {  	p1 =	slt.u32 s9, $0xF7A;
	s5 =	simm.s32 @!p2 $0x0  }
0x1d: {  	s5 =	simm.s32 @p1 $0x1;
	p0 =	seq.s32 s7, s2  }
0x1e: {  	s7 =	smul.u32 @!p0 $0xF7A, s2;
	p2 =	seq.s32 @!p0 s5, $0x0  }
0x1f: {  	s9 =	smul.u32 $0xF7A, s1;
	s8 =	simm.s32 @!p0 $0x1BF5;
	p2 =	por !p2, p0  }
0x20: {  	[sflag:s8] =	ssyncset.s32 @!p0 $0xFFFFF086;
	s6 =	sadd.s32 @!p0 s3, s7;
	s7 =	simm.s32 @!p0 $0x108  }
0x21: {  	s3 =	sadd.s32 s3, s9;
	s6 =	sadd.s32 @!p0 $0x88, s6;
	s7 =	simm.s32 @p2 $0x1082  }
0x22: {  	[simem:s7], [sflag:s8] =	dma.local @!p0 [hbm:s6], $0xF7A  }
0x23: {  	s9 =	sor.u32 $0xD0000000, s2;
	s6 =	simm.s32 $0x108;
	_ =	swait.ge @!p0 [sflag:s8], $0x0  }
0x24: {  	s3 =	sadd.s32 $0x88, s3;
	s6 =	simm.s32 @!p1 $0x1082;
	[sflag:s4] =	ssyncset.s32 $0xFFFFF086  }
0x25: {  	[simem:s6], [sflag:s4] =	dma.local [hbm:s3], $0xF7A  }
0x26: {  	[smem:$0x3F9F] =	sst s1;
	(tag) =	ssettag s2;
	_ =	strace s9  }
0x27: {  	s1 =	sld [smem:$0x3FAF]  }
0x28: {  	s2 =	sld [smem:$0x3FB0]  }
0x29: {  	s4 =	sld [smem:$0x3FB2]  }
0x2a: {  	p0 =	seq.s32 s5, $0x0;
	s5 =	sld [smem:$0x3FB3]  }
0x2b: {  	s6 =	sld [smem:$0x3FB4]  }
0x2c: {  	s7 =	sld [smem:$0x3FB5]  }
0x2d: {  	s3 =	simm.s32 $0x108;
	s8 =	sld [smem:$0x3FB6]  }
0x2e: {  	s3 =	simm.s32 @!p0 $0x1082;
	s9 =	sld [smem:$0x3FB7]  }
0x2f: {  	lr =	sadd.s32 s0, s3;
	s0 =	sld [smem:$0x3FAE]  }
0x30: {  	s3 =	sld [smem:$0x3FB1]  }
0x31: {  	[smem:$0x3FBA] =	sst s10  }
0x32: {  	s10 =	sld [smem:$0x3FB8];
	_ =	sdelay $0x3  }
0x33: {  	p0 =	seq.s32 s10, $0x1;
	s10 =	sld [smem:$0x3FBA];
	_ =	sdelay $0x3  }
0x34: {  	[smem:$0x3FBA] =	sst s10  }
0x35: {  	s10 =	sld [smem:$0x3FB9];
	_ =	sdelay $0x3  }
0x36: {  	p1 =	seq.s32 s10, $0x1;
	s10 =	sld [smem:$0x3FBA];
	_ =	sdelay $0x3  }
0x37: {  	[smem:$0x3FBA] =	sst s10  }
0x38: {  	s10 =	sld [smem:$0x3FBB]  }
0x39: {  	_ = 	snop;
	(pc) =	sbr.ind lr, $3  }
0x3a: {  	_ = 	snop  }
0x3b: {  	_ = 	snop  }
0x3c: {  	p2 =	seq.s32 s10, $0x1;
	s10 =	sld [smem:$0x3FBA]  }
0x3d: {  	_ =	shalt  }
0x3e: {  	_ =	shalt  }
0x3f: {  	_ =	shalt  }
0x40: {  	_ =	shalt  }
0x41: {  	_ =	shalt  }
0x42: {  	_ =	shalt  }
0x43: {  	_ =	shalt  }
0x44: {  	_ =	shalt  }
0x45: {  	_ =	shalt  }
0x46: {  	_ =	shalt  }
0x47: {  	_ =	shalt  }
0x48: {  	_ =	shalt  }
0x49: {  	_ =	shalt  }
0x4a: {  	_ =	shalt  }
0x4b: {  	_ =	shalt  }
0x4c: {  	_ =	shalt  }
0x4d: {  	_ =	shalt  }
0x4e: {  	_ =	shalt  }
0x4f: {  	_ =	shalt  }
0x50: {  	_ =	shalt  }
0x51: {  	_ =	shalt  }
0x52: {  	_ =	shalt  }
0x53: {  	_ =	shalt  }
0x54: {  	_ =	shalt  }
0x55: {  	_ =	shalt  }
0x56: {  	_ =	shalt  }
0x57: {  	_ =	shalt  }
0x58: {  	_ =	shalt  }
0x59: {  	_ =	shalt  }
0x5a: {  	_ =	shalt  }
0x5b: {  	_ =	shalt  }
0x5c: {  	_ =	shalt  }
0x5d: {  	_ =	shalt  }
0x5e: {  	_ =	shalt  }
0x5f: {  	_ =	shalt  }
0x60: {  	_ =	shalt  }
0x61: {  	_ =	shalt  }
0x62: {  	_ =	shalt  }
0x63: {  	_ =	shalt  }
0x64: {  	_ =	shalt  }
0x65: {  	_ =	shalt  }
0x66: {  	_ =	shalt  }
0x67: {  	_ =	shalt  }
0x68: {  	_ =	shalt  }
0x69: {  	_ =	shalt  }
0x6a: {  	_ =	shalt  }
0x6b: {  	_ =	shalt  }
0x6c: {  	_ =	shalt  }
0x6d: {  	_ =	shalt  }
0x6e: {  	_ =	shalt  }
0x6f: {  	_ =	shalt  }
0x70: {  	_ =	shalt  }
0x71: {  	_ =	shalt  }
0x72: {  	_ =	shalt  }
0x73: {  	_ =	shalt  }
0x74: {  	_ =	shalt  }
0x75: {  	_ =	shalt  }
0x76: {  	_ =	shalt  }
0x77: {  	_ =	shalt  }
0x78: {  	_ =	shalt  }
0x79: {  	_ =	shalt  }
0x7a: {  	_ =	shalt  }
0x7b: {  	_ =	shalt  }
0x7c: {  	_ =	shalt  }
0x7d: {  	_ =	shalt  }
0x7e: {  	_ =	shalt  }
0x7f: {  	_ =	shalt  }
0x80: {  	_ =	shalt  }
0x81: {  	_ =	shalt  }
0x82: {  	_ =	shalt  }
0x83: {  	_ =	shalt  }
0x84: {  	_ =	shalt  }
0x85: {  	_ =	shalt  }
0x86: {  	_ =	shalt  }
0x87: {  	_ =	shalt  }
.Lfunc_end0:
.L_simem_size_0:
called_computation_lowered:
.L_overlay_start_0:
0x88: {  	s2 =	sld [smem:$0x3FD9]  }
0x89: {  	s3 =	sld [smem:$0x3FFE];
	_ =	sdelay $0x1  }
0x8a: {  	s1 =	srdreg.scid  }
0x8b: {  	s0 =	sand.u32 $0x1, s1  }
0x8c: {  	s17 =	sshll.u32 s0, $0xA;
	s2 =	sadd.s32 s3, s2  }
0x8d: {  	s2 =	sadd.s32 s2, s17  }
0x8e: {  	[smem:$0x3FC6] =	sst s2  }
0x8f: {  	_ = 	snop  }
0x90: {  	s2 =	sld [smem:$0x3FC8]  }
0x91: {  	s18 =	sld [smem:$0x3FD0];
	(tm) =	ssettm $0x1  }
0x92: {  	s4 =	sld [smem:$0x3FFB];
	_ =	sdelay $0x3  }
0x93: {  	_ =	strace s4  }
0x94: {  	s4 =	sld [smem:$0x3FFC];
	_ =	sdelay $0x3  }
0x95: {  	_ =	strace s4  }
0x96: {  	s4 =	sld [smem:$0x3FFD];
	_ =	sdelay $0x3  }
0x97: {  	_ =	strace s4  }
0x98: {  	_ =	strace $0x8FFFFFFF  }
0x99: {  	s19 =	sld [smem:$0x3FDB];
	_ =	sdelay $0x1  }
0x9a: {  	s5 =	simm.s32 $_scs_section_size  }
0x9b: {  	s6 =	simm.s32 $_size__tile_overlayer_lowered;
	s7 =	simm.s32 $_tile_overlayer_lowered  }
0x9c: {  	s22 =	simm.s32 $0x1BFF;
	s21 =	sshll.u32 s7, $0x1;
	s4 =	sadd.s32 s5, s19  }
0x9d: {  	s8 =	simm.s32 $0x0;
	s20 =	sshll.u32 s6, $0x1;
	s6 =	sadd.s32 s21, s4  }
0x9e: {  	[timem:s8], [sflag:s22] =	dma.local [hbm:s6], s20  }
0x9f: {  	_ =	swait.ge [sflag:s22], s20  }
0xa0: {  	s5 =	ssub.s32 $0x0, s20;
	[sflag:s22] =	ssyncset.done $0x0  }
0xa1: {  	[sflag:s22] =	ssyncadd.s32 s5;
	_ =	sdelay $0x1  }
0xa2: {  	s23 =	simm.s32 $0x1B8B  }
0xa3: {  	_ =	swait.ge [sflag:s23], $0x1  }
0xa4: {  	[sflag:s23] =	ssyncset.done $0x0  }
0xa5: {  	s25 =	simm.s32 $0x1B8E;
	s24 =	sld [smem:$0x3FFE];
	[sflag:s23] =	ssyncadd.s32 $0xFFFFFFFF  }
0xa6: {  	s26 =	simm.s32 $execute0_lowered;
	[smem:$0x3FD2] =	sst s25  }
0xa7: {  	s6 =	sshll.u32 s26, $0x1;
	_ =	strace $0x80000046;
	[dreg:$0x1] =	wrdreg $0xFFFFFFFF  }
0xa8: {  	s28 =	simm.s32 $_size_execute0_lowered;
	s4 =	sadd.s32 s4, s6;
	[dreg:$0x0] =	wrdreg $0x0  }
0xa9: {  	s6 =	sshll.u32 s28, $0x1;
	[dreg:$0x2] =	wrdreg s4  }
0xaa: {  	[dreg:$0x3] =	wrdreg s6  }
0xab: {  	[dreg:$0x4] =	wrdreg $0xC0  }
0xac: {  	_ =	task [dreg:s8], $0x5FFFF  }
0xad: {  	[dreg:$0x1] =	wrdreg $0xFFFFFFFF  }
0xae: {  	[dreg:$0x0] =	wrdreg $0x60  }
0xaf: {  	[dreg:$0x2] =	wrdreg s24  }
0xb0: {  	[dreg:$0x3] =	wrdreg s2  }
0xb1: {  	[dreg:$0x4] =	wrdreg s18  }
0xb2: {  	[dreg:$0x5] =	wrdreg $0x9  }
0xb3: {  	_ =	task.clear_ibuf [dreg:s8], $0x6FFFF;
	_ =	strace $0x90000046  }
0xb4: {  	s29 =	simm.s32 $0x9;
	_ =	strace $0x80000048  }
0xb5: {  	_ =	swait.ge [sflag:s29], $0x1  }
0xb6: {  	[sflag:s29] =	ssyncadd.s32 $0xFFFFFFFF  }
0xb7: {  	_ =	strace $0x90000048  }
0xb8: {  	_ =	sfence  }
0xb9: {  	s30 =	sld [smem:$0x0];
	_ =	sdelay $0x2  }
0xba: {  	s31 =	sshll.u32 s1, $0xD;
	s1 =	sshrl.u32 s1, $0x2  }
0xbb: {  	s3 =	sand.u32 $0x4000, s31;
	s1 =	sadd.s32 s1, s30  }
0xbc: {  	s0 =	sor.u32 s3, s0;
	s1 =	sshll.u32 s1, $0x11  }
0xbd: {  	s0 =	sor.u32 s1, s0  }
0xbe: {  	s0 =	sadd.s32 $0x8F2B, s0  }
0xbf: {  	[sflag:s0] =	ssyncadd.remote.s32 $0x1  }
0xc0: {  	_ =	sfence.sel $0xFFFF  }
0xc1: {  	[dreg:$0x0] =	wrdreg $0xFFFFFFFF;
	(pc) =	sbr.abs _section_cstart, $3  }
0xc2: {  	[dreg:$0x1] =	wrdreg $0xFFFFFFFF  }
0xc3: {  	_ =	task.clear_ibuf [dreg:s8], $0x2FFFF;
	_ =	strace $0x9FFFFFFF  }
0xc4: {  	(tm) =	ssettm $0x7FFFFFFF  }
0xc5: {  	_ =	shalt  }
tec
execute0_lowered:
.L_overlay_start_1:
0x0: {  	(tag) =	ssettag $0x1  }
0x1: {  	s0 =	rddreg [dreg:$0x0]  }
0x2: {  	s2 =	rddreg [dreg:$0x1]  }
0x3: {  	s1 =	srdreg.scid;
	s9 =	stileid.u32  }
0x4: {  	s4 =	rddreg [dreg:$0x2];
	s3 =	simm.s32 $0x0;
	s11 =	simm.s32 $0x4800  }
0x5: {  	s12 =	simm.s32 $0x5000;
	s28 =	simm.s32 $0x6000;
	s15 =	simm.s32 $0x6800  }
0x6: {  	s16 =	simm.s32 $0x7000;
	s17 =	simm.s32 $0x7800;
	s18 =	simm.s32 $0x8000  }
0x7: {  	s19 =	simm.s32 $0x8800;
	s20 =	simm.s32 $0x9000;
	s31 =	simm.s32 $0x1  }
0x8: {  	s29 =	simm.s32 $0xA800;
	s30 =	simm.s32 $0xB000;
	s14 =	simm.s32 $0xB800  }
0x9: {  	s13 =	simm.s32 $0xE000;
	s1 =	sand.u32 $0x1, s1;
	s5 =	sshll.u32 s9, $0x1  }
0xa: {  	[smem:$0x7FF] =	sst s3;
	s23 =	sshll.u32 s9, $0x12;
	s9 =	simm.s32 $0x3800  }
0xb: {  	s5 =	sor.u32 s1, s5;
	s7 =	ssub.s32 $0x2, s1;
	_ =	strace $0x80000047  }
0xc: {  	s1 =	sshll.u32 s1, $0x11;
	s6 =	sshll.u32 s5, $0xA;
	s21 =	sshrl.u32 s7, $0x1  }
0xd: {  	s8 =	sshll.u32 s5, $0x11;
	s5 =	sadd.s32 $0x100, s2;
	s0 =	sadd.s32 s6, s0  }
0xe: {  	s7 =	ssub.s32 s7, s21;
	s6 =	sadd.s32 $0x200, s2;
	s10 =	sadd.s32 s4, s8  }
0xf: {  	s8 =	sadd.s32 $0x300, s2;
	s0 =	sadd.s32 $0x400, s0;
	[dreg:$0x6] =	wrdreg s10  }
0x10: {  	s21 =	simm.s32 $0x9800;
	s22 =	sadd.s32 $0x800, s10;
	[dreg:$0x5] =	wrdreg s0  }
0x11: {  	s24 =	sadd.s32 $0x1F000, s10;
	s25 =	sadd.s32 $0x1F800, s10;
	[dreg:$0x7] =	wrdreg s22  }
0x12: {  	s26 =	smax.u32 s7, $0x1;
	s10 =	simm.s32 $0x4000;
	[dreg:$0x8] =	wrdreg s24  }
0x13: {  	s7 =	simm.s32 $0x5800;
	s0 =	sadd.s32 s23, s4;
	[dreg:$0x9] =	wrdreg s25  }
0x14: {  	[dreg:$0xa] =	wrdreg s26;
	s22 =	simm.s32 $0x2000;
	s4 =	simm.s32 $0x3000  }
0x15: {  	v2 =	vlaneseq.u32;
	s23 =	simm.s32 $0x2;
	s24 =	simm.s32 $0x3;
	s26 =	simm.s32 $0x0  }
0x16: {  	vm0 =	vmmov $0xffff;
	v1 =	vshrl.u32 v2, $0x3;
	s25 =	simm.s32 $0x4;
	s0 =	sadd.s32 s1, s0;
	[dreg:$0xb] =	wrdreg s26  }
0x17: {  	v0 =	vand.u32 $0x7, v2;
	v2 =	vor.u32 $0x8, v2;
	v1 =	vmul.u32 $0x8, v1;
	s1 =	simm.s32 $0xA000;
	[dreg:$0x4] =	wrdreg s0;
	s0 =	simm.s32 $0x2800  }
.LBB2_1:
0x18: {  	s26 =	rddreg [dreg:$0x5]  }
0x19: {  	[tilespmem:s3], [sflag:$0x5] =	stream.linear.gather [hbm4b:s26+s3], $0x2000, $0x38;
	[tilespmem:$0x12000] =	vst v63  }
0x1a: {  	s26 =	simm.s32 $0x5  }
0x1b: {  	_ =	swait.ge [sflag:s26], $0x2000  }
0x1c: {  	[sflag:s26] =	ssyncset.done $0x0  }
0x1d: {  	[sflag:s26] =	ssyncadd.s32 $0xFFFFE000  }
0x1e: {  	v3 =	vld [tilespmem:$0x0];
	_ =	sdelay $0x4  }
0x1f: {  	v4 =	vshll.u32 v3, $0x3  }
0x20: {  	v3 =	vand.u32 $0x7, v3;
	v4 =	vand.u32 $0xFFFFFFC0, v4  }
0x21: {  	v3 =	vor.u32 v3, v4  }
0x22: {  	v4 =	vperm.xlane v3, v0;
	_ =	sdelay $0x1  }
0x23: {  	v4 =	vadd.s32 v1, v4;
	_ =	sdelay $0x4  }
0x24: {  	[tilespmem:s22], [sflag:$0x1] =	stream.indirect_vreg.gather [hbm4b:s2+s3], $0x80, v4, vm0, $0xb8;
	[tilespmem:$0x12000] =	vst v63  }
0x25: {  	v3 =	vperm.xlane v3, v2  }
0x26: {  	[tilespmem:s0], [sflag:$0x1] =	stream.indirect_vreg.gather [hbm4b:s5+s3], $0x80, v4, vm0, $0xb8;
	[tilespmem:$0x12000] =	vst v63  }
0x27: {  	v3 =	vadd.s32 v1, v3  }
0x28: {  	[tilespmem:s4], [sflag:$0x1] =	stream.indirect_vreg.gather [hbm4b:s6+s3], $0x80, v4, vm0, $0xb8;
	[tilespmem:$0x12000] =	vst v63  }
0x29: {  	_ = 	snop  }
0x2a: {  	[tilespmem:s9], [sflag:$0x1] =	stream.indirect_vreg.gather [hbm4b:s8+s3], $0x80, v4, vm0, $0xb8;
	[tilespmem:$0x12000] =	vst v63  }
0x2b: {  	_ = 	snop  }
0x2c: {  	[tilespmem:s10], [sflag:$0x1] =	stream.indirect_vreg.gather [hbm4b:s2+s3], $0x80, v3, vm0, $0xb8;
	[tilespmem:$0x12000] =	vst v63  }
0x2d: {  	_ = 	snop  }
0x2e: {  	[tilespmem:s11], [sflag:$0x1] =	stream.indirect_vreg.gather [hbm4b:s5+s3], $0x80, v3, vm0, $0xb8;
	[tilespmem:$0x12000] =	vst v63  }
0x2f: {  	_ = 	snop  }
0x30: {  	[tilespmem:s12], [sflag:$0x1] =	stream.indirect_vreg.gather [hbm4b:s6+s3], $0x80, v3, vm0, $0xb8;
	[tilespmem:$0x12000] =	vst v63  }
0x31: {  	_ = 	snop  }
0x32: {  	[tilespmem:s7], [sflag:$0x1] =	stream.indirect_vreg.gather [hbm4b:s8+s3], $0x80, v3, vm0, $0xb8;
	[tilespmem:$0x12000] =	vst v63  }
0x33: {  	v3 =	vld [tilespmem:$0x80];
	_ =	sdelay $0x4  }
0x34: {  	v61 =	vshll.u32 v3, $0x3  }
0x35: {  	v3 =	vand.u32 $0x7, v3;
	v4 =	vand.u32 $0xFFFFFFC0, v61  }
0x36: {  	v3 =	vor.u32 v3, v4  }
0x37: {  	v4 =	vperm.xlane v3, v0;
	_ =	sdelay $0x1  }
0x38: {  	v4 =	vadd.s32 v1, v4;
	_ =	sdelay $0x4  }
0x39: {  	[tilespmem:s28], [sflag:$0x1] =	stream.indirect_vreg.gather [hbm4b:s2+s3], $0x80, v4, vm0, $0xb8;
	[tilespmem:$0x12000] =	vst v63  }
0x3a: {  	v3 =	vperm.xlane v3, v2  }
0x3b: {  	[tilespmem:s15], [sflag:$0x1] =	stream.indirect_vreg.gather [hbm4b:s5+s3], $0x80, v4, vm0, $0xb8;
	[tilespmem:$0x12000] =	vst v63  }
0x3c: {  	v3 =	vadd.s32 v1, v3  }
0x3d: {  	[tilespmem:s16], [sflag:$0x1] =	stream.indirect_vreg.gather [hbm4b:s6+s3], $0x80, v4, vm0, $0xb8;
	[tilespmem:$0x12000] =	vst v63  }
0x3e: {  	_ = 	snop  }
0x3f: {  	[tilespmem:s17], [sflag:$0x1] =	stream.indirect_vreg.gather [hbm4b:s8+s3], $0x80, v4, vm0, $0xb8;
	[tilespmem:$0x12000] =	vst v63  }
0x40: {  	_ = 	snop  }
0x41: {  	[tilespmem:s18], [sflag:$0x1] =	stream.indirect_vreg.gather [hbm4b:s2+s3], $0x80, v3, vm0, $0xb8;
	[tilespmem:$0x12000] =	vst v63  }
0x42: {  	_ = 	snop  }
0x43: {  	[tilespmem:s19], [sflag:$0x1] =	stream.indirect_vreg.gather [hbm4b:s5+s3], $0x80, v3, vm0, $0xb8;
	[tilespmem:$0x12000] =	vst v63  }
0x44: {  	_ = 	snop  }
0x45: {  	[tilespmem:s20], [sflag:$0x1] =	stream.indirect_vreg.gather [hbm4b:s6+s3], $0x80, v3, vm0, $0xb8;
	[tilespmem:$0x12000] =	vst v63  }
0x46: {  	_ = 	snop  }
0x47: {  	[tilespmem:s21], [sflag:$0x1] =	stream.indirect_vreg.gather [hbm4b:s8+s3], $0x80, v3, vm0, $0xb8;
	[tilespmem:$0x12000] =	vst v63  }
0x48: {  	_ =	swait.ge [sflag:s31], $0x4000  }
0x49: {  	[sflag:s31] =	ssyncset.done $0x0  }
0x4a: {  	[sflag:s31] =	ssyncadd.s32 $0xFFFFC000  }
0x4b: {  	_ =	swait.ge [sflag:s31], $0x4000  }
0x4c: {  	[sflag:s31] =	ssyncset.done $0x0  }
0x4d: {  	s15 =	rddreg [dreg:$0x6];
	[sflag:s31] =	ssyncadd.s32 $0xFFFFC000  }
0x4e: {  	[hbm4b:s15+s3] =	stream.linear.scatter [tilespmem:s22], [sflag:$0x3], $0x4000, $0x38;
	[tilespmem:$0x12000] =	vst v63  }
0x4f: {  	s16 =	rddreg [dreg:$0x7]  }
0x50: {  	[hbm4b:s16+s3] =	stream.linear.scatter [tilespmem:s28], [sflag:$0x3], $0x4000, $0x38;
	[tilespmem:$0x12000] =	vst v63  }
0x51: {  	v3 =	vld [tilespmem:$0x100];
	_ =	sdelay $0x4  }
0x52: {  	v62 =	vshll.u32 v3, $0x3  }
0x53: {  	v3 =	vand.u32 $0x7, v3;
	v4 =	vand.u32 $0xFFFFFFC0, v62  }
0x54: {  	v3 =	vor.u32 v3, v4  }
0x55: {  	v4 =	vperm.xlane v3, v0;
	_ =	sdelay $0x1  }
0x56: {  	v4 =	vadd.s32 v1, v4;
	_ =	sdelay $0x4  }
0x57: {  	[tilespmem:s1], [sflag:$0x2] =	stream.indirect_vreg.gather [hbm4b:s2+s3], $0x80, v4, vm0, $0xb8;
	[tilespmem:$0x12000] =	vst v63  }
0x58: {  	v3 =	vperm.xlane v3, v2  }
0x59: {  	[tilespmem:s29], [sflag:$0x2] =	stream.indirect_vreg.gather [hbm4b:s5+s3], $0x80, v4, vm0, $0xb8;
	[tilespmem:$0x12000] =	vst v63  }
0x5a: {  	v3 =	vadd.s32 v1, v3  }
0x5b: {  	[tilespmem:s30], [sflag:$0x2] =	stream.indirect_vreg.gather [hbm4b:s6+s3], $0x80, v4, vm0, $0xb8;
	[tilespmem:$0x12000] =	vst v63  }
0x5c: {  	_ = 	snop  }
0x5d: {  	[tilespmem:s14], [sflag:$0x2] =	stream.indirect_vreg.gather [hbm4b:s8+s3], $0x80, v4, vm0, $0xb8;
	[tilespmem:$0x12000] =	vst v63  }
0x5e: {  	s17 =	simm.s32 $0xC000  }
0x5f: {  	[tilespmem:s17], [sflag:$0x2] =	stream.indirect_vreg.gather [hbm4b:s2+s3], $0x80, v3, vm0, $0xb8;
	[tilespmem:$0x12000] =	vst v63  }
0x60: {  	s18 =	simm.s32 $0xC800  }
0x61: {  	[tilespmem:s18], [sflag:$0x2] =	stream.indirect_vreg.gather [hbm4b:s5+s3], $0x80, v3, vm0, $0xb8;
	[tilespmem:$0x12000] =	vst v63  }
0x62: {  	s19 =	simm.s32 $0xD000  }
0x63: {  	[tilespmem:s19], [sflag:$0x2] =	stream.indirect_vreg.gather [hbm4b:s6+s3], $0x80, v3, vm0, $0xb8;
	[tilespmem:$0x12000] =	vst v63  }
0x64: {  	s20 =	simm.s32 $0xD800  }
0x65: {  	[tilespmem:s20], [sflag:$0x2] =	stream.indirect_vreg.gather [hbm4b:s8+s3], $0x80, v3, vm0, $0xb8;
	[tilespmem:$0x12000] =	vst v63  }
0x66: {  	v3 =	vld [tilespmem:$0x180];
	_ =	sdelay $0x4  }
0x67: {  	v63 =	vshll.u32 v3, $0x3  }
0x68: {  	v3 =	vand.u32 $0x7, v3;
	v4 =	vand.u32 $0xFFFFFFC0, v63  }
0x69: {  	v3 =	vor.u32 v3, v4  }
0x6a: {  	v4 =	vperm.xlane v3, v0;
	_ =	sdelay $0x1  }
0x6b: {  	v4 =	vadd.s32 v1, v4;
	_ =	sdelay $0x3  }
0x6c: {  	s26 =	simm.s32 $0xF800  }
0x6d: {  	[tilespmem:s13], [sflag:$0x2] =	stream.indirect_vreg.gather [hbm4b:s2+s3], $0x80, v4, vm0, $0xb8;
	[tilespmem:$0x12000] =	vst v63  }
0x6e: {  	s0 =	simm.s32 $0x6000;
	s4 =	simm.s32 $0x11000;
	s21 =	simm.s32 $0xE800;
	v3 =	vperm.xlane v3, v2  }
0x6f: {  	[tilespmem:s21], [sflag:$0x2] =	stream.indirect_vreg.gather [hbm4b:s5+s3], $0x80, v4, vm0, $0xb8;
	[tilespmem:$0x12000] =	vst v63  }
0x70: {  	s9 =	simm.s32 $0x11800;
	s11 =	simm.s32 $0x4800;
	s22 =	simm.s32 $0xF000;
	v3 =	vadd.s32 v1, v3  }
0x71: {  	[tilespmem:s22], [sflag:$0x2] =	stream.indirect_vreg.gather [hbm4b:s6+s3], $0x80, v4, vm0, $0xb8;
	[tilespmem:$0x12000] =	vst v63  }
0x72: {  	s12 =	simm.s32 $0x5000;
	s7 =	simm.s32 $0x5800;
	s15 =	simm.s32 $0x6800  }
0x73: {  	[tilespmem:s26], [sflag:$0x2] =	stream.indirect_vreg.gather [hbm4b:s8+s3], $0x80, v4, vm0, $0xb8;
	[tilespmem:$0x12000] =	vst v63  }
0x74: {  	s16 =	simm.s32 $0x7000;
	s28 =	simm.s32 $0x0;
	s29 =	simm.s32 $0x10000  }
0x75: {  	[tilespmem:s29], [sflag:$0x2] =	stream.indirect_vreg.gather [hbm4b:s2+s3], $0x80, v3, vm0, $0xb8;
	[tilespmem:$0x12000] =	vst v63  }
0x76: {  	s30 =	simm.s32 $0x10800;
	s14 =	simm.s32 $0xB800;
	s17 =	simm.s32 $0x7800  }
0x77: {  	[tilespmem:s30], [sflag:$0x2] =	stream.indirect_vreg.gather [hbm4b:s5+s3], $0x80, v3, vm0, $0xb8;
	[tilespmem:$0x12000] =	vst v63  }
0x78: {  	s18 =	simm.s32 $0x8000;
	s19 =	simm.s32 $0x8800;
	s20 =	simm.s32 $0x9000  }
0x79: {  	[tilespmem:s4], [sflag:$0x2] =	stream.indirect_vreg.gather [hbm4b:s6+s3], $0x80, v3, vm0, $0xb8;
	[tilespmem:$0x12000] =	vst v63  }
0x7a: {  	s21 =	simm.s32 $0x9800;
	s22 =	simm.s32 $0x2000;
	s26 =	simm.s32 $0x380  }
0x7b: {  	[tilespmem:s9], [sflag:$0x2] =	stream.indirect_vreg.gather [hbm4b:s8+s3], $0x80, v3, vm0, $0xb8;
	[tilespmem:$0x12000] =	vst v63  }
.LBB2_2:
0x7c: {  	_ =	swait.ge [sflag:s23], $0x4000  }
0x7d: {  	[sflag:s23] =	ssyncset.done $0x0  }
0x7e: {  	[sflag:s23] =	ssyncadd.s32 $0xFFFFC000  }
0x7f: {  	_ =	swait.ge [sflag:s23], $0x4000  }
0x80: {  	s29 =	rddreg [dreg:$0x4]  }
0x81: {  	[sflag:s23] =	ssyncset.done $0x0;
	s29 =	sadd.s32 s28, s29  }
0x82: {  	[sflag:s23] =	ssyncadd.s32 $0xFFFFC000;
	s30 =	sadd.s32 $0x1000, s29  }
0x83: {  	[hbm4b:s30+s3] =	stream.linear.scatter [tilespmem:s1], [sflag:$0x4], $0x4000, $0x38;
	[tilespmem:$0x12000] =	vst v63  }
0x84: {  	s30 =	sadd.s32 $0x1800, s29  }
0x85: {  	[hbm4b:s30+s3] =	stream.linear.scatter [tilespmem:s13], [sflag:$0x4], $0x4000, $0x38;
	[tilespmem:$0x12000] =	vst v63  }
0x86: {  	_ =	swait.ge [sflag:s24], $0x4000  }
0x87: {  	[sflag:s24] =	ssyncset.done $0x0  }
0x88: {  	[sflag:s24] =	ssyncadd.s32 $0xFFFFC000  }
0x89: {  	_ =	swait.ge [sflag:s24], $0x4000  }
0x8a: {  	[sflag:s24] =	ssyncset.done $0x0  }
0x8b: {  	[sflag:s24] =	ssyncadd.s32 $0xFFFFC000  }
0x8c: {  	v3 =	vld [tilespmem:s26+$0xFFFFFE80];
	_ =	sdelay $0x4  }
0x8d: {  	v4 =	vshll.u32 v3, $0x3  }
0x8e: {  	v3 =	vand.u32 $0x7, v3;
	v4 =	vand.u32 $0xFFFFFFC0, v4  }
0x8f: {  	v3 =	vor.u32 v3, v4  }
0x90: {  	v4 =	vperm.xlane v3, v0;
	_ =	sdelay $0x1  }
0x91: {  	v4 =	vadd.s32 v1, v4;
	_ =	sdelay $0x4  }
0x92: {  	[tilespmem:s22], [sflag:$0x1] =	stream.indirect_vreg.gather [hbm4b:s2+s3], $0x80, v4, vm0, $0xb8;
	[tilespmem:$0x12000] =	vst v63  }
0x93: {  	s10 =	simm.s32 $0x2800;
	v3 =	vperm.xlane v3, v2  }
0x94: {  	[tilespmem:s10], [sflag:$0x1] =	stream.indirect_vreg.gather [hbm4b:s5+s3], $0x80, v4, vm0, $0xb8;
	[tilespmem:$0x12000] =	vst v63  }
0x95: {  	v3 =	vadd.s32 v1, v3;
	s10 =	simm.s32 $0x3000  }
0x96: {  	[tilespmem:s10], [sflag:$0x1] =	stream.indirect_vreg.gather [hbm4b:s6+s3], $0x80, v4, vm0, $0xb8;
	[tilespmem:$0x12000] =	vst v63  }
0x97: {  	s10 =	simm.s32 $0x3800  }
0x98: {  	[tilespmem:s10], [sflag:$0x1] =	stream.indirect_vreg.gather [hbm4b:s8+s3], $0x80, v4, vm0, $0xb8;
	[tilespmem:$0x12000] =	vst v63  }
0x99: {  	s10 =	simm.s32 $0x4000  }
0x9a: {  	[tilespmem:s10], [sflag:$0x1] =	stream.indirect_vreg.gather [hbm4b:s2+s3], $0x80, v3, vm0, $0xb8;
	[tilespmem:$0x12000] =	vst v63  }
0x9b: {  	_ = 	snop  }
0x9c: {  	[tilespmem:s11], [sflag:$0x1] =	stream.indirect_vreg.gather [hbm4b:s5+s3], $0x80, v3, vm0, $0xb8;
	[tilespmem:$0x12000] =	vst v63  }
0x9d: {  	_ = 	snop  }
0x9e: {  	[tilespmem:s12], [sflag:$0x1] =	stream.indirect_vreg.gather [hbm4b:s6+s3], $0x80, v3, vm0, $0xb8;
	[tilespmem:$0x12000] =	vst v63  }
0x9f: {  	_ = 	snop  }
0xa0: {  	[tilespmem:s7], [sflag:$0x1] =	stream.indirect_vreg.gather [hbm4b:s8+s3], $0x80, v3, vm0, $0xb8;
	[tilespmem:$0x12000] =	vst v63  }
0xa1: {  	v3 =	vld [tilespmem:s26+$0xFFFFFF00];
	_ =	sdelay $0x4  }
0xa2: {  	v61 =	vshll.u32 v3, $0x3  }
0xa3: {  	v3 =	vand.u32 $0x7, v3;
	v4 =	vand.u32 $0xFFFFFFC0, v61  }
0xa4: {  	v3 =	vor.u32 v3, v4  }
0xa5: {  	v4 =	vperm.xlane v3, v0;
	_ =	sdelay $0x1  }
0xa6: {  	v4 =	vadd.s32 v1, v4;
	_ =	sdelay $0x4  }
0xa7: {  	[tilespmem:s0], [sflag:$0x1] =	stream.indirect_vreg.gather [hbm4b:s2+s3], $0x80, v4, vm0, $0xb8;
	[tilespmem:$0x12000] =	vst v63  }
0xa8: {  	v3 =	vperm.xlane v3, v2  }
0xa9: {  	[tilespmem:s15], [sflag:$0x1] =	stream.indirect_vreg.gather [hbm4b:s5+s3], $0x80, v4, vm0, $0xb8;
	[tilespmem:$0x12000] =	vst v63  }
0xaa: {  	v3 =	vadd.s32 v1, v3  }
0xab: {  	[tilespmem:s16], [sflag:$0x1] =	stream.indirect_vreg.gather [hbm4b:s6+s3], $0x80, v4, vm0, $0xb8;
	[tilespmem:$0x12000] =	vst v63  }
0xac: {  	_ = 	snop  }
0xad: {  	[tilespmem:s17], [sflag:$0x1] =	stream.indirect_vreg.gather [hbm4b:s8+s3], $0x80, v4, vm0, $0xb8;
	[tilespmem:$0x12000] =	vst v63  }
0xae: {  	_ = 	snop  }
0xaf: {  	[tilespmem:s18], [sflag:$0x1] =	stream.indirect_vreg.gather [hbm4b:s2+s3], $0x80, v3, vm0, $0xb8;
	[tilespmem:$0x12000] =	vst v63  }
0xb0: {  	_ = 	snop  }
0xb1: {  	[tilespmem:s19], [sflag:$0x1] =	stream.indirect_vreg.gather [hbm4b:s5+s3], $0x80, v3, vm0, $0xb8;
	[tilespmem:$0x12000] =	vst v63  }
0xb2: {  	_ = 	snop  }
0xb3: {  	[tilespmem:s20], [sflag:$0x1] =	stream.indirect_vreg.gather [hbm4b:s6+s3], $0x80, v3, vm0, $0xb8;
	[tilespmem:$0x12000] =	vst v63  }
0xb4: {  	_ = 	snop  }
0xb5: {  	[tilespmem:s21], [sflag:$0x1] =	stream.indirect_vreg.gather [hbm4b:s8+s3], $0x80, v3, vm0, $0xb8;
	[tilespmem:$0x12000] =	vst v63  }
0xb6: {  	_ =	swait.ge [sflag:s31], $0x4000  }
0xb7: {  	[sflag:s31] =	ssyncset.done $0x0  }
0xb8: {  	[sflag:s31] =	ssyncadd.s32 $0xFFFFC000  }
0xb9: {  	_ =	swait.ge [sflag:s31], $0x4000  }
0xba: {  	[sflag:s31] =	ssyncset.done $0x0  }
0xbb: {  	s30 =	sadd.s32 $0x2000, s29;
	[sflag:s31] =	ssyncadd.s32 $0xFFFFC000  }
0xbc: {  	[hbm4b:s30+s3] =	stream.linear.scatter [tilespmem:s22], [sflag:$0x3], $0x4000, $0x38;
	[tilespmem:$0x12000] =	vst v63  }
0xbd: {  	s29 =	sadd.s32 $0x2800, s29  }
0xbe: {  	[hbm4b:s29+s3] =	stream.linear.scatter [tilespmem:s0], [sflag:$0x3], $0x4000, $0x38;
	[tilespmem:$0x12000] =	vst v63  }
0xbf: {  	_ =	swait.ge [sflag:s25], $0x4000  }
0xc0: {  	[sflag:s25] =	ssyncset.done $0x0  }
0xc1: {  	[sflag:s25] =	ssyncadd.s32 $0xFFFFC000  }
0xc2: {  	_ =	swait.ge [sflag:s25], $0x4000  }
0xc3: {  	[sflag:s25] =	ssyncset.done $0x0  }
0xc4: {  	[sflag:s25] =	ssyncadd.s32 $0xFFFFC000  }
0xc5: {  	v3 =	vld [tilespmem:s26+$0xFFFFFF80];
	_ =	sdelay $0x4  }
0xc6: {  	v62 =	vshll.u32 v3, $0x3  }
0xc7: {  	v3 =	vand.u32 $0x7, v3;
	v4 =	vand.u32 $0xFFFFFFC0, v62  }
0xc8: {  	v3 =	vor.u32 v3, v4  }
0xc9: {  	v4 =	vperm.xlane v3, v0;
	_ =	sdelay $0x1  }
0xca: {  	v4 =	vadd.s32 v1, v4;
	_ =	sdelay $0x4  }
0xcb: {  	[tilespmem:s1], [sflag:$0x2] =	stream.indirect_vreg.gather [hbm4b:s2+s3], $0x80, v4, vm0, $0xb8;
	[tilespmem:$0x12000] =	vst v63  }
0xcc: {  	s29 =	simm.s32 $0xA800;
	v3 =	vperm.xlane v3, v2  }
0xcd: {  	[tilespmem:s29], [sflag:$0x2] =	stream.indirect_vreg.gather [hbm4b:s5+s3], $0x80, v4, vm0, $0xb8;
	[tilespmem:$0x12000] =	vst v63  }
0xce: {  	s30 =	simm.s32 $0xB000;
	v3 =	vadd.s32 v1, v3  }
0xcf: {  	[tilespmem:s30], [sflag:$0x2] =	stream.indirect_vreg.gather [hbm4b:s6+s3], $0x80, v4, vm0, $0xb8;
	[tilespmem:$0x12000] =	vst v63  }
0xd0: {  	_ = 	snop  }
0xd1: {  	[tilespmem:s14], [sflag:$0x2] =	stream.indirect_vreg.gather [hbm4b:s8+s3], $0x80, v4, vm0, $0xb8;
	[tilespmem:$0x12000] =	vst v63  }
0xd2: {  	s10 =	simm.s32 $0xC000  }
0xd3: {  	[tilespmem:s10], [sflag:$0x2] =	stream.indirect_vreg.gather [hbm4b:s2+s3], $0x80, v3, vm0, $0xb8;
	[tilespmem:$0x12000] =	vst v63  }
0xd4: {  	s10 =	simm.s32 $0xC800  }
0xd5: {  	[tilespmem:s10], [sflag:$0x2] =	stream.indirect_vreg.gather [hbm4b:s5+s3], $0x80, v3, vm0, $0xb8;
	[tilespmem:$0x12000] =	vst v63  }
0xd6: {  	s10 =	simm.s32 $0xD000  }
0xd7: {  	[tilespmem:s10], [sflag:$0x2] =	stream.indirect_vreg.gather [hbm4b:s6+s3], $0x80, v3, vm0, $0xb8;
	[tilespmem:$0x12000] =	vst v63  }
0xd8: {  	s10 =	simm.s32 $0xD800  }
0xd9: {  	[tilespmem:s10], [sflag:$0x2] =	stream.indirect_vreg.gather [hbm4b:s8+s3], $0x80, v3, vm0, $0xb8;
	[tilespmem:$0x12000] =	vst v63  }
0xda: {  	v3 =	vld [tilespmem:s26+$0x0];
	_ =	sdelay $0x4  }
0xdb: {  	v63 =	vshll.u32 v3, $0x3  }
0xdc: {  	v3 =	vand.u32 $0x7, v3;
	v4 =	vand.u32 $0xFFFFFFC0, v63  }
0xdd: {  	v3 =	vor.u32 v3, v4  }
0xde: {  	v4 =	vperm.xlane v3, v0;
	_ =	sdelay $0x1  }
0xdf: {  	v4 =	vadd.s32 v1, v4;
	_ =	sdelay $0x4  }
0xe0: {  	[tilespmem:s13], [sflag:$0x2] =	stream.indirect_vreg.gather [hbm4b:s2+s3], $0x80, v4, vm0, $0xb8;
	[tilespmem:$0x12000] =	vst v63  }
0xe1: {  	s10 =	simm.s32 $0xE800;
	v3 =	vperm.xlane v3, v2  }
0xe2: {  	[tilespmem:s10], [sflag:$0x2] =	stream.indirect_vreg.gather [hbm4b:s5+s3], $0x80, v4, vm0, $0xb8;
	[tilespmem:$0x12000] =	vst v63  }
0xe3: {  	v3 =	vadd.s32 v1, v3;
	s10 =	simm.s32 $0xF000  }
0xe4: {  	[tilespmem:s10], [sflag:$0x2] =	stream.indirect_vreg.gather [hbm4b:s6+s3], $0x80, v4, vm0, $0xb8;
	[tilespmem:$0x12000] =	vst v63  }
0xe5: {  	s10 =	simm.s32 $0xF800  }
0xe6: {  	[tilespmem:s10], [sflag:$0x2] =	stream.indirect_vreg.gather [hbm4b:s8+s3], $0x80, v4, vm0, $0xb8;
	[tilespmem:$0x12000] =	vst v63  }
0xe7: {  	s10 =	simm.s32 $0x10000  }
0xe8: {  	[tilespmem:s10], [sflag:$0x2] =	stream.indirect_vreg.gather [hbm4b:s2+s3], $0x80, v3, vm0, $0xb8;
	[tilespmem:$0x12000] =	vst v63  }
0xe9: {  	p0 =	sne.s32 s28, $0x1C000;
	s10 =	simm.s32 $0x10800  }
0xea: {  	[tilespmem:s10], [sflag:$0x2] =	stream.indirect_vreg.gather [hbm4b:s5+s3], $0x80, v3, vm0, $0xb8;
	[tilespmem:$0x12000] =	vst v63  }
.Ltmp0:
0xeb: {  	_ = 	snop;
	(pc) =	sbr.rel @p0 .LBB2_2-.Ltmp0, $4  }
0xec: {  	_ = 	snop  }
0xed: {  	[tilespmem:s4], [sflag:$0x2] =	stream.indirect_vreg.gather [hbm4b:s6+s3], $0x80, v3, vm0, $0xb8;
	[tilespmem:$0x12000] =	vst v63  }
0xee: {  	s28 =	sadd.s32 $0x2000, s28;
	s26 =	sadd.s32 $0x200, s26  }
0xef: {  	[tilespmem:s9], [sflag:$0x2] =	stream.indirect_vreg.gather [hbm4b:s8+s3], $0x80, v3, vm0, $0xb8;
	[tilespmem:$0x12000] =	vst v63  }
0xf0: {  	_ =	swait.ge [sflag:s23], $0x4000  }
0xf1: {  	[sflag:s23] =	ssyncset.done $0x0  }
0xf2: {  	[sflag:s23] =	ssyncadd.s32 $0xFFFFC000  }
0xf3: {  	_ =	swait.ge [sflag:s23], $0x4000  }
0xf4: {  	[sflag:s23] =	ssyncset.done $0x0  }
0xf5: {  	s26 =	rddreg [dreg:$0x8];
	[sflag:s23] =	ssyncadd.s32 $0xFFFFC000  }
0xf6: {  	[hbm4b:s26+s3] =	stream.linear.scatter [tilespmem:s1], [sflag:$0x4], $0x4000, $0x38;
	[tilespmem:$0x12000] =	vst v63  }
0xf7: {  	s21 =	rddreg [dreg:$0x9]  }
0xf8: {  	[hbm4b:s21+s3] =	stream.linear.scatter [tilespmem:s13], [sflag:$0x4], $0x4000, $0x38;
	[tilespmem:$0x12000] =	vst v63  }
0xf9: {  	_ =	swait.ge [sflag:s24], $0x4000  }
0xfa: {  	[sflag:s24] =	ssyncset.done $0x0  }
0xfb: {  	[sflag:s24] =	ssyncadd.s32 $0xFFFFC000  }
0xfc: {  	_ =	swait.ge [sflag:s24], $0x4000  }
0xfd: {  	[sflag:s24] =	ssyncset.done $0x0  }
0xfe: {  	[sflag:s24] =	ssyncadd.s32 $0xFFFFC000  }
0xff: {  	_ =	swait.ge [sflag:s25], $0x4000  }
0x100: {  	[sflag:s25] =	ssyncset.done $0x0  }
0x101: {  	[sflag:s25] =	ssyncadd.s32 $0xFFFFC000  }
0x102: {  	s4 =	simm.s32 $0x3000;
	_ =	swait.ge [sflag:s25], $0x4000  }
0x103: {  	s9 =	simm.s32 $0x3800;
	s10 =	simm.s32 $0x4000;
	s0 =	rddreg [dreg:$0xb]  }
0x104: {  	s11 =	simm.s32 $0x4800;
	s22 =	rddreg [dreg:$0xa];
	s0 =	sadd.s32 $0x1, s0  }
0x105: {  	s12 =	simm.s32 $0x5000;
	s7 =	simm.s32 $0x5800;
	p0 =	sne.s32 s0, s22  }
.Ltmp1:
0x106: {  	s15 =	simm.s32 $0x6800;
	s16 =	simm.s32 $0x7000;
	(pc) =	sbr.rel @p0 .LBB2_1-.Ltmp1, $4  }
0x107: {  	s17 =	simm.s32 $0x7800;
	s18 =	simm.s32 $0x8000;
	s19 =	simm.s32 $0x8800  }
0x108: {  	s20 =	simm.s32 $0x9000;
	s14 =	simm.s32 $0xB800;
	[sflag:s25] =	ssyncset.done $0x0  }
0x109: {  	s28 =	simm.s32 $0x6000;
	s21 =	simm.s32 $0x9800;
	[sflag:s25] =	ssyncadd.s32 $0xFFFFC000  }
0x10a: {  	[dreg:$0xb] =	wrdreg s0;
	s0 =	simm.s32 $0x2800;
	s22 =	simm.s32 $0x2000  }
0x10b: {  	_ =	sfence.sel $0x180000  }
0x10c: {  	[bflag:$0x0] =	sbarrier.arrive $0xFFFF  }
0x10d: {  	_ =	strace $0x90000047  }
0x10e: {  	s0 =	stileid.u32;
	[bflag:$0x2] =	sbarrier.arrive $0xFFFF  }
0x10f: {  	p0 =	sne.s32 s0, $0x0;
	s0 =	rddreg [dreg:$0x3]  }
0x110: {  	s0 =	sadd.s32 @!p0 $0x100000, s0  }
0x111: {  	[sflag:s0] =	ssyncadd.tile.s32 @!p0 $0x1;
	_ =	shalt  }
.Lfunc_end2:
_tile_overlayer_lowered:
.L_overlay_start_2:
0x112: {  	(tag) =	ssettag $0x2  }
0x113: {  	s0 =	rddreg [dreg:$0x0];
	s2 =	stileid.u32  }
0x114: {  	s1 =	rddreg [dreg:$0x1];
	p0 =	sne.s32 s2, $0x0  }
0x115: {  	s3 =	rddreg [dreg:$0x2];
	[bflag:$0x3] =	sbarrier.arrive $0xFFFF;
	s2 =	simm.s32 @!p0 $0x1C05  }
0x116: {  	[timem:s3], [sflag:s2] =	dma.local @!p0 [hbm:s0], s1  }
0x117: {  	s0 =	simm.s32 @!p0 $0x5  }
0x118: {  	_ =	swait.ge @!p0 [sflag:s0], s1  }
0x119: {  	s1 =	ssub.s32 @!p0 $0x0, s1;
	[sflag:s0] =	ssyncset.done @!p0 $0x0  }
0x11a: {  	[sflag:s0] =	ssyncadd.s32 @!p0 s1  }
0x11b: {  	[bflag:$0x3] =	sbarrier.arrive $0xFFFF  }
0x11c: {  	_ =	shalt  }

</sc_bundles>
